<compile_context>
chip_gen: v7x
topology: tpu7x:2x2x1
jax: 0.10.2.dev20260603
libtpu: 0.0.44.dev20260713+nightly
codegen_flags: <defaults>
</compile_context>

<pallas_src>
import jax
import jax.numpy as jnp
from jax.experimental import pallas as pl
from jax.experimental.pallas import tpu as pltpu

_B, _D, _T = 16, 256, 2048
_K, _Q = 1024, 8
_N = _B * _T
_BLK = 1024
_NCH = 2
_H = _BLK // _NCH


def _vq_body(x_ref, cbt_ref, hi_ref, mid_ref, lo_ref, cbsq_ref,
             qt_ref, codes_ref):
    iota_f = jax.lax.broadcasted_iota(jnp.int32, (_H, _K), 1).astype(jnp.float32)

    rs = [x_ref[h * _H:(h + 1) * _H, :] for h in range(_NCH)]
    qts = [jnp.zeros_like(rs[h]) for h in range(_NCH)]
    for q in range(_Q):
        for h in range(_NCH):
            r = rs[h]
            s = jnp.sum(r * r, axis=1, keepdims=True)
            m = jnp.dot(r, cbt_ref[q], preferred_element_type=jnp.float32)
            dist = s - 2.0 * m + cbsq_ref[q][None, :]
            mn = jnp.min(dist, axis=1, keepdims=True)
            idxf = jnp.min(jnp.where(dist == mn, iota_f, float(_K)), axis=1)
            sel = (iota_f == idxf[:, None]).astype(jnp.bfloat16)
            quant = (jnp.dot(sel, hi_ref[q], preferred_element_type=jnp.float32)
                     + jnp.dot(sel, mid_ref[q], preferred_element_type=jnp.float32)
                     + jnp.dot(sel, lo_ref[q], preferred_element_type=jnp.float32))
            rs[h] = r - quant
            qts[h] = qts[h] + quant
            codes_ref[h * _H:(h + 1) * _H, q] = idxf.astype(jnp.int32)
    for h in range(_NCH):
        qt_ref[h * _H:(h + 1) * _H, :] = qts[h]


def kernel(embeddings, embed):
    x = jnp.transpose(embeddings, (0, 2, 1)).reshape(-1, _D)
    cbt = jnp.transpose(embed, (0, 2, 1)).astype(jnp.bfloat16)
    hi = jax.lax.optimization_barrier(embed.astype(jnp.bfloat16))
    r1 = embed - hi.astype(jnp.float32)
    mid = jax.lax.optimization_barrier(r1.astype(jnp.bfloat16))
    r2 = r1 - mid.astype(jnp.float32)
    lo = jax.lax.optimization_barrier(r2.astype(jnp.bfloat16))
    cbsq = jnp.sum(embed * embed, axis=2)
    grid = (_N // _BLK,)
    qt, codes = pl.pallas_call(
        _vq_body,
        grid=grid,
        in_specs=[
            pl.BlockSpec((_BLK, _D), lambda i: (i, 0)),
            pl.BlockSpec((_Q, _D, _K), lambda i: (0, 0, 0)),
            pl.BlockSpec((_Q, _K, _D), lambda i: (0, 0, 0)),
            pl.BlockSpec((_Q, _K, _D), lambda i: (0, 0, 0)),
            pl.BlockSpec((_Q, _K, _D), lambda i: (0, 0, 0)),
            pl.BlockSpec((_Q, _K), lambda i: (0, 0)),
        ],
        out_specs=[
            pl.BlockSpec((_BLK, _D), lambda i: (i, 0)),
            pl.BlockSpec((_BLK, _Q), lambda i: (i, 0)),
        ],
        out_shape=[
            jax.ShapeDtypeStruct((_N, _D), jnp.float32),
            jax.ShapeDtypeStruct((_N, _Q), jnp.int32),
        ],
    )(x, cbt, hi, mid, lo, cbsq)

    quantized_out = jnp.transpose(qt.reshape(_B, _T, _D), (0, 2, 1))
    return (quantized_out, jnp.transpose(codes).reshape(_Q, _B, _T))

# --- scband reference (transcript-rebuilt; emitter-appended) ---
"""Pipeline reference for scband-xcodec-residual-vector-quantization-7636451852800 (READ-ONLY COPY).

The authoritative reference and input builder live on the scoring server;
editing this copy changes nothing except your own understanding.
"""

import jax, jax.numpy as jnp
import numpy as np

B, D, T = 16, 256, 2048
K, Q = 1024, 8

def setup_inputs(seed: int = 0) -> dict:
    key = jax.random.key(seed)
    k1, k2 = jax.random.split(key)
    embeddings = jax.random.normal(k1, (B, D, T), dtype=jnp.float32)
    # learned codebooks for all Q quantizers (embed buffer in torch, zeros there;
    # randomized here so quantization is non-degenerate)
    embed = jax.random.normal(k2, (Q, K, D), dtype=jnp.float32) * 0.1
    return {"embeddings": embeddings, "embed": embed}

def reference(embeddings, embed):
    # encode: permute (0,2,1) -> flatten tokens
    x = jnp.transpose(embeddings, (0, 2, 1)).reshape(-1, D)
    residual = x
    quant_total = jnp.zeros_like(x)
    all_indices = []
    for q in range(Q):
        cb = embed[q]  # [K, D]
        # Euclidean distance via ||r||^2 - 2 r.cb^T + ||cb||^2 ; torch takes max of -dist
        dist = (jnp.sum(residual * residual, axis=1, keepdims=True)
                - 2.0 * (residual @ cb.T)
                + jnp.sum(cb * cb, axis=1)[None, :])
        idx = jnp.argmin(dist, axis=-1)
        quantized = jnp.take(cb, idx, axis=0)  # decode (embedding gather)
        residual = residual - quantized
        quant_total = quant_total + quantized
        all_indices.append(idx.reshape(B, T))
    codes = jnp.stack(all_indices)  # [Q, B, T] -- encode() output
    # decode path: sum of per-quantizer embeddings, back to [B, D, T]
    quantized_out = jnp.transpose(quant_total.reshape(B, T, D), (0, 2, 1))
    return (quantized_out, codes)

if __name__ == "__main__":
    import jax
    _d = setup_inputs()
    print(jax.jit(kernel)(*tuple(_d.values())))

</pallas_src>

<mosaic_0001>
module attributes {stable_mosaic.version = 14 : i64} {
  func.func @_vq_body(%arg0: i32, %arg1: memref<1024x256xf32, #tpu.memory_space<vmem>>, %arg2: memref<8x256x1024xbf16, #tpu.memory_space<vmem>>, %arg3: memref<8x1024x256xbf16, #tpu.memory_space<vmem>>, %arg4: memref<8x1024x256xbf16, #tpu.memory_space<vmem>>, %arg5: memref<8x1024x256xbf16, #tpu.memory_space<vmem>>, %arg6: memref<8x1024xf32, #tpu.memory_space<vmem>>, %arg7: memref<1024x256xf32, #tpu.memory_space<vmem>>, %arg8: memref<1024x8xi32, #tpu.memory_space<vmem>>) attributes {dimension_semantics = [#tpu.dimension_semantics<arbitrary>], iteration_bounds = array<i64: 32>, scalar_prefetch = 0 : i64, scratch_operands = 0 : i64, tpu.core_type = #tpu.core_type<tc>, window_params = [{transform_indices = @transform_0, window_bounds = array<i64: 1024, 256>}, {pipeline_mode = #tpu.pipeline_mode<synchronous>, transform_indices = @transform_1, window_bounds = array<i64: 8, 256, 1024>}, {pipeline_mode = #tpu.pipeline_mode<synchronous>, transform_indices = @transform_2, window_bounds = array<i64: 8, 1024, 256>}, {pipeline_mode = #tpu.pipeline_mode<synchronous>, transform_indices = @transform_3, window_bounds = array<i64: 8, 1024, 256>}, {pipeline_mode = #tpu.pipeline_mode<synchronous>, transform_indices = @transform_4, window_bounds = array<i64: 8, 1024, 256>}, {pipeline_mode = #tpu.pipeline_mode<synchronous>, transform_indices = @transform_5, window_bounds = array<i64: 8, 1024>}, {transform_indices = @transform_6, window_bounds = array<i64: 1024, 256>}, {transform_indices = @transform_7, window_bounds = array<i64: 1024, 8>}]} {
    %iota3A = tpu.iota {dimensions = array<i32: 1>} : vector<512x1024xi32>
    %convert_element_type3A = arith.sitofp %iota3A : vector<512x1024xi32> to vector<512x1024xf32>
    %get3A = arith.constant 0 : index
    %get3A_0 = arith.constant 0 : index
    %get3A_1 = vector.load %arg1[%get3A, %get3A_0] : memref<1024x256xf32, #tpu.memory_space<vmem>>, vector<512x256xf32>
    %get3A_2 = arith.constant 512 : index
    %get3A_3 = arith.constant 0 : index
    %get3A_4 = vector.load %arg1[%get3A_2, %get3A_3] : memref<1024x256xf32, #tpu.memory_space<vmem>>, vector<512x256xf32>
    %broadcast_in_dim3A = arith.constant 0.000000e+00 : f32
    %broadcast_in_dim3A_5 = vector.broadcast %broadcast_in_dim3A : f32 to vector<512x256xf32>
    %broadcast_in_dim3A_6 = arith.constant 0.000000e+00 : f32
    %broadcast_in_dim3A_7 = vector.broadcast %broadcast_in_dim3A_6 : f32 to vector<512x256xf32>
    %mul3A = arith.mulf %get3A_1, %get3A_1 : vector<512x256xf32>
    %reduce_sum3A = arith.constant dense<0.000000e+00> : vector<512xf32>
    %reduce_sum3A_8 = vector.multi_reduction <add>, %mul3A, %reduce_sum3A [1] : vector<512x256xf32> to vector<512xf32>
    %broadcast_in_dim3A_9 = vector.shape_cast %reduce_sum3A_8 : vector<512xf32> to vector<512x1xf32>
    %get3A_10 = arith.constant 0 : index
    %get3A_11 = arith.constant 0 : index
    %get3A_12 = arith.constant 0 : index
    %get3A_13 = vector.load %arg2[%get3A_10, %get3A_11, %get3A_12] : memref<8x256x1024xbf16, #tpu.memory_space<vmem>>, vector<1x256x1024xbf16>
    %get3A_14 = vector.shape_cast %get3A_13 : vector<1x256x1024xbf16> to vector<256x1024xbf16>
    %dot_general3A = arith.constant dense<0.000000e+00> : vector<512x1024xf32>
    %dot_general3A_15 = tpu.matmul %get3A_1, %get3A_14, %dot_general3A {dimension_numbers = #tpu.dot_dimension_numbers<[1], [0], [0], [1], [0, 0, 1, 1], [], []>, transpose_lhs_hint = false} : vector<512x256xf32>, vector<256x1024xbf16>, vector<512x1024xf32> -> vector<512x1024xf32>
    %mul3A_16 = arith.constant 2.000000e+00 : f32
    %mul3A_17 = vector.broadcast %mul3A_16 : f32 to vector<512x1024xf32>
    %mul3A_18 = arith.mulf %mul3A_17, %dot_general3A_15 : vector<512x1024xf32>
    %sub3A = vector.broadcast %broadcast_in_dim3A_9 : vector<512x1xf32> to vector<512x1024xf32>
    %sub3A_19 = arith.subf %sub3A, %mul3A_18 : vector<512x1024xf32>
    %get3A_20 = arith.constant 0 : index
    %get3A_21 = arith.constant 0 : index
    %get3A_22 = vector.load %arg6[%get3A_20, %get3A_21] : memref<8x1024xf32, #tpu.memory_space<vmem>>, vector<1x1024xf32>
    %get3A_23 = vector.shape_cast %get3A_22 : vector<1x1024xf32> to vector<1024xf32>
    %broadcast_in_dim3A_24 = vector.shape_cast %get3A_23 : vector<1024xf32> to vector<1x1024xf32>
    %add3A = vector.broadcast %broadcast_in_dim3A_24 : vector<1x1024xf32> to vector<512x1024xf32>
    %add3A_25 = arith.addf %sub3A_19, %add3A : vector<512x1024xf32>
    %reduce_min3A = arith.constant dense<0x7F800000> : vector<512xf32>
    %reduce_min3A_26 = vector.multi_reduction <minimumf>, %add3A_25, %reduce_min3A [1] : vector<512x1024xf32> to vector<512xf32>
    %broadcast_in_dim3A_27 = vector.shape_cast %reduce_min3A_26 : vector<512xf32> to vector<512x1xf32>
    %eq3A = vector.broadcast %broadcast_in_dim3A_27 : vector<512x1xf32> to vector<512x1024xf32>
    %eq3A_28 = arith.cmpf oeq, %add3A_25, %eq3A : vector<512x1024xf32>
    %jit3A = arith.constant 1.024000e+03 : f32
    %broadcast_in_dim3A_29 = vector.broadcast %jit3A : f32 to vector<512x1024xf32>
    %select_n3A = arith.select %eq3A_28, %convert_element_type3A, %broadcast_in_dim3A_29 : vector<512x1024xi1>, vector<512x1024xf32>
    %reduce_min3A_30 = arith.constant dense<0x7F800000> : vector<512xf32>
    %reduce_min3A_31 = vector.multi_reduction <minimumf>, %select_n3A, %reduce_min3A_30 [1] : vector<512x1024xf32> to vector<512xf32>
    %broadcast_in_dim3A_32 = vector.shape_cast %reduce_min3A_31 : vector<512xf32> to vector<512x1xf32>
    %eq3A_33 = vector.broadcast %broadcast_in_dim3A_32 : vector<512x1xf32> to vector<512x1024xf32>
    %eq3A_34 = arith.cmpf oeq, %convert_element_type3A, %eq3A_33 : vector<512x1024xf32>
    %convert_element_type3A_35 = arith.extui %eq3A_34 : vector<512x1024xi1> to vector<512x1024xi32>
    %convert_element_type3A_36 = arith.sitofp %convert_element_type3A_35 : vector<512x1024xi32> to vector<512x1024xf32>
    %convert_element_type3A_37 = arith.truncf %convert_element_type3A_36 : vector<512x1024xf32> to vector<512x1024xbf16>
    %get3A_38 = arith.constant 0 : index
    %get3A_39 = arith.constant 0 : index
    %get3A_40 = arith.constant 0 : index
    %get3A_41 = vector.load %arg3[%get3A_38, %get3A_39, %get3A_40] : memref<8x1024x256xbf16, #tpu.memory_space<vmem>>, vector<1x1024x256xbf16>
    %get3A_42 = vector.shape_cast %get3A_41 : vector<1x1024x256xbf16> to vector<1024x256xbf16>
    %dot_general3A_43 = arith.constant dense<0.000000e+00> : vector<512x256xf32>
    %dot_general3A_44 = tpu.matmul %convert_element_type3A_37, %get3A_42, %dot_general3A_43 {dimension_numbers = #tpu.dot_dimension_numbers<[1], [0], [0], [1], [0, 0, 1, 1], [], []>, transpose_lhs_hint = false} : vector<512x1024xbf16>, vector<1024x256xbf16>, vector<512x256xf32> -> vector<512x256xf32>
    %get3A_45 = arith.constant 0 : index
    %get3A_46 = arith.constant 0 : index
    %get3A_47 = arith.constant 0 : index
    %get3A_48 = vector.load %arg4[%get3A_45, %get3A_46, %get3A_47] : memref<8x1024x256xbf16, #tpu.memory_space<vmem>>, vector<1x1024x256xbf16>
    %get3A_49 = vector.shape_cast %get3A_48 : vector<1x1024x256xbf16> to vector<1024x256xbf16>
    %dot_general3A_50 = arith.constant dense<0.000000e+00> : vector<512x256xf32>
    %dot_general3A_51 = tpu.matmul %convert_element_type3A_37, %get3A_49, %dot_general3A_50 {dimension_numbers = #tpu.dot_dimension_numbers<[1], [0], [0], [1], [0, 0, 1, 1], [], []>, transpose_lhs_hint = false} : vector<512x1024xbf16>, vector<1024x256xbf16>, vector<512x256xf32> -> vector<512x256xf32>
    %add3A_52 = arith.addf %dot_general3A_44, %dot_general3A_51 : vector<512x256xf32>
    %get3A_53 = arith.constant 0 : index
    %get3A_54 = arith.constant 0 : index
    %get3A_55 = arith.constant 0 : index
    %get3A_56 = vector.load %arg5[%get3A_53, %get3A_54, %get3A_55] : memref<8x1024x256xbf16, #tpu.memory_space<vmem>>, vector<1x1024x256xbf16>
    %get3A_57 = vector.shape_cast %get3A_56 : vector<1x1024x256xbf16> to vector<1024x256xbf16>
    %dot_general3A_58 = arith.constant dense<0.000000e+00> : vector<512x256xf32>
    %dot_general3A_59 = tpu.matmul %convert_element_type3A_37, %get3A_57, %dot_general3A_58 {dimension_numbers = #tpu.dot_dimension_numbers<[1], [0], [0], [1], [0, 0, 1, 1], [], []>, transpose_lhs_hint = false} : vector<512x1024xbf16>, vector<1024x256xbf16>, vector<512x256xf32> -> vector<512x256xf32>
    %add3A_60 = arith.addf %add3A_52, %dot_general3A_59 : vector<512x256xf32>
    %sub3A_61 = arith.subf %get3A_1, %add3A_60 : vector<512x256xf32>
    %add3A_62 = arith.addf %broadcast_in_dim3A_5, %add3A_60 : vector<512x256xf32>
    %convert_element_type3A_63 = arith.fptosi %reduce_min3A_31 : vector<512xf32> to vector<512xi32>
    %swap3A = arith.constant 0 : index
    %swap3A_64 = arith.constant 0 : index
    %swap3A_65 = vector.load %arg8[%swap3A, %swap3A_64] : memref<1024x8xi32, #tpu.memory_space<vmem>>, vector<512x1xi32>
    %swap3A_66 = vector.shape_cast %swap3A_65 : vector<512x1xi32> to vector<512xi32>
    %swap3A_67 = vector.shape_cast %convert_element_type3A_63 : vector<512xi32> to vector<512x1xi32>
    tpu.vector_store %arg8[%swap3A, %swap3A_64], %swap3A_67 {strides = array<i32>} : memref<1024x8xi32, #tpu.memory_space<vmem>>, vector<512x1xi32>,
    %mul3A_68 = arith.mulf %get3A_4, %get3A_4 : vector<512x256xf32>
    %reduce_sum3A_69 = arith.constant dense<0.000000e+00> : vector<512xf32>
    %reduce_sum3A_70 = vector.multi_reduction <add>, %mul3A_68, %reduce_sum3A_69 [1] : vector<512x256xf32> to vector<512xf32>
    %broadcast_in_dim3A_71 = vector.shape_cast %reduce_sum3A_70 : vector<512xf32> to vector<512x1xf32>
    %get3A_72 = arith.constant 0 : index
    %get3A_73 = arith.constant 0 : index
    %get3A_74 = arith.constant 0 : index
    %get3A_75 = vector.load %arg2[%get3A_72, %get3A_73, %get3A_74] : memref<8x256x1024xbf16, #tpu.memory_space<vmem>>, vector<1x256x1024xbf16>
    %get3A_76 = vector.shape_cast %get3A_75 : vector<1x256x1024xbf16> to vector<256x1024xbf16>
    %dot_general3A_77 = arith.constant dense<0.000000e+00> : vector<512x1024xf32>
    %dot_general3A_78 = tpu.matmul %get3A_4, %get3A_76, %dot_general3A_77 {dimension_numbers = #tpu.dot_dimension_numbers<[1], [0], [0], [1], [0, 0, 1, 1], [], []>, transpose_lhs_hint = false} : vector<512x256xf32>, vector<256x1024xbf16>, vector<512x1024xf32> -> vector<512x1024xf32>
    %mul3A_79 = arith.constant 2.000000e+00 : f32
    %mul3A_80 = vector.broadcast %mul3A_79 : f32 to vector<512x1024xf32>
    %mul3A_81 = arith.mulf %mul3A_80, %dot_general3A_78 : vector<512x1024xf32>
    %sub3A_82 = vector.broadcast %broadcast_in_dim3A_71 : vector<512x1xf32> to vector<512x1024xf32>
    %sub3A_83 = arith.subf %sub3A_82, %mul3A_81 : vector<512x1024xf32>
    %get3A_84 = arith.constant 0 : index
    %get3A_85 = arith.constant 0 : index
    %get3A_86 = vector.load %arg6[%get3A_84, %get3A_85] : memref<8x1024xf32, #tpu.memory_space<vmem>>, vector<1x1024xf32>
    %get3A_87 = vector.shape_cast %get3A_86 : vector<1x1024xf32> to vector<1024xf32>
    %broadcast_in_dim3A_88 = vector.shape_cast %get3A_87 : vector<1024xf32> to vector<1x1024xf32>
    %add3A_89 = vector.broadcast %broadcast_in_dim3A_88 : vector<1x1024xf32> to vector<512x1024xf32>
    %add3A_90 = arith.addf %sub3A_83, %add3A_89 : vector<512x1024xf32>
    %reduce_min3A_91 = arith.constant dense<0x7F800000> : vector<512xf32>
    %reduce_min3A_92 = vector.multi_reduction <minimumf>, %add3A_90, %reduce_min3A_91 [1] : vector<512x1024xf32> to vector<512xf32>
    %broadcast_in_dim3A_93 = vector.shape_cast %reduce_min3A_92 : vector<512xf32> to vector<512x1xf32>
    %eq3A_94 = vector.broadcast %broadcast_in_dim3A_93 : vector<512x1xf32> to vector<512x1024xf32>
    %eq3A_95 = arith.cmpf oeq, %add3A_90, %eq3A_94 : vector<512x1024xf32>
    %jit3A_96 = arith.constant 1.024000e+03 : f32
    %broadcast_in_dim3A_97 = vector.broadcast %jit3A_96 : f32 to vector<512x1024xf32>
    %select_n3A_98 = arith.select %eq3A_95, %convert_element_type3A, %broadcast_in_dim3A_97 : vector<512x1024xi1>, vector<512x1024xf32>
    %reduce_min3A_99 = arith.constant dense<0x7F800000> : vector<512xf32>
    %reduce_min3A_100 = vector.multi_reduction <minimumf>, %select_n3A_98, %reduce_min3A_99 [1] : vector<512x1024xf32> to vector<512xf32>
    %broadcast_in_dim3A_101 = vector.shape_cast %reduce_min3A_100 : vector<512xf32> to vector<512x1xf32>
    %eq3A_102 = vector.broadcast %broadcast_in_dim3A_101 : vector<512x1xf32> to vector<512x1024xf32>
    %eq3A_103 = arith.cmpf oeq, %convert_element_type3A, %eq3A_102 : vector<512x1024xf32>
    %convert_element_type3A_104 = arith.extui %eq3A_103 : vector<512x1024xi1> to vector<512x1024xi32>
    %convert_element_type3A_105 = arith.sitofp %convert_element_type3A_104 : vector<512x1024xi32> to vector<512x1024xf32>
    %convert_element_type3A_106 = arith.truncf %convert_element_type3A_105 : vector<512x1024xf32> to vector<512x1024xbf16>
    %get3A_107 = arith.constant 0 : index
    %get3A_108 = arith.constant 0 : index
    %get3A_109 = arith.constant 0 : index
    %get3A_110 = vector.load %arg3[%get3A_107, %get3A_108, %get3A_109] : memref<8x1024x256xbf16, #tpu.memory_space<vmem>>, vector<1x1024x256xbf16>
    %get3A_111 = vector.shape_cast %get3A_110 : vector<1x1024x256xbf16> to vector<1024x256xbf16>
    %dot_general3A_112 = arith.constant dense<0.000000e+00> : vector<512x256xf32>
    %dot_general3A_113 = tpu.matmul %convert_element_type3A_106, %get3A_111, %dot_general3A_112 {dimension_numbers = #tpu.dot_dimension_numbers<[1], [0], [0], [1], [0, 0, 1, 1], [], []>, transpose_lhs_hint = false} : vector<512x1024xbf16>, vector<1024x256xbf16>, vector<512x256xf32> -> vector<512x256xf32>
    %get3A_114 = arith.constant 0 : index
    %get3A_115 = arith.constant 0 : index
    %get3A_116 = arith.constant 0 : index
    %get3A_117 = vector.load %arg4[%get3A_114, %get3A_115, %get3A_116] : memref<8x1024x256xbf16, #tpu.memory_space<vmem>>, vector<1x1024x256xbf16>
    %get3A_118 = vector.shape_cast %get3A_117 : vector<1x1024x256xbf16> to vector<1024x256xbf16>
    %dot_general3A_119 = arith.constant dense<0.000000e+00> : vector<512x256xf32>
    %dot_general3A_120 = tpu.matmul %convert_element_type3A_106, %get3A_118, %dot_general3A_119 {dimension_numbers = #tpu.dot_dimension_numbers<[1], [0], [0], [1], [0, 0, 1, 1], [], []>, transpose_lhs_hint = false} : vector<512x1024xbf16>, vector<1024x256xbf16>, vector<512x256xf32> -> vector<512x256xf32>
    %add3A_121 = arith.addf %dot_general3A_113, %dot_general3A_120 : vector<512x256xf32>
    %get3A_122 = arith.constant 0 : index
    %get3A_123 = arith.constant 0 : index
    %get3A_124 = arith.constant 0 : index
    %get3A_125 = vector.load %arg5[%get3A_122, %get3A_123, %get3A_124] : memref<8x1024x256xbf16, #tpu.memory_space<vmem>>, vector<1x1024x256xbf16>
    %get3A_126 = vector.shape_cast %get3A_125 : vector<1x1024x256xbf16> to vector<1024x256xbf16>
    %dot_general3A_127 = arith.constant dense<0.000000e+00> : vector<512x256xf32>
    %dot_general3A_128 = tpu.matmul %convert_element_type3A_106, %get3A_126, %dot_general3A_127 {dimension_numbers = #tpu.dot_dimension_numbers<[1], [0], [0], [1], [0, 0, 1, 1], [], []>, transpose_lhs_hint = false} : vector<512x1024xbf16>, vector<1024x256xbf16>, vector<512x256xf32> -> vector<512x256xf32>
    %add3A_129 = arith.addf %add3A_121, %dot_general3A_128 : vector<512x256xf32>
    %sub3A_130 = arith.subf %get3A_4, %add3A_129 : vector<512x256xf32>
    %add3A_131 = arith.addf %broadcast_in_dim3A_7, %add3A_129 : vector<512x256xf32>
    %convert_element_type3A_132 = arith.fptosi %reduce_min3A_100 : vector<512xf32> to vector<512xi32>
    %swap3A_133 = arith.constant 512 : index
    %swap3A_134 = arith.constant 0 : index
    %swap3A_135 = vector.load %arg8[%swap3A_133, %swap3A_134] : memref<1024x8xi32, #tpu.memory_space<vmem>>, vector<512x1xi32>
    %swap3A_136 = vector.shape_cast %swap3A_135 : vector<512x1xi32> to vector<512xi32>
    %swap3A_137 = vector.shape_cast %convert_element_type3A_132 : vector<512xi32> to vector<512x1xi32>
    tpu.vector_store %arg8[%swap3A_133, %swap3A_134], %swap3A_137 {strides = array<i32>} : memref<1024x8xi32, #tpu.memory_space<vmem>>, vector<512x1xi32>,
    %mul3A_138 = arith.mulf %sub3A_61, %sub3A_61 : vector<512x256xf32>
    %reduce_sum3A_139 = arith.constant dense<0.000000e+00> : vector<512xf32>
    %reduce_sum3A_140 = vector.multi_reduction <add>, %mul3A_138, %reduce_sum3A_139 [1] : vector<512x256xf32> to vector<512xf32>
    %broadcast_in_dim3A_141 = vector.shape_cast %reduce_sum3A_140 : vector<512xf32> to vector<512x1xf32>
    %get3A_142 = arith.constant 1 : index
    %get3A_143 = arith.constant 0 : index
    %get3A_144 = arith.constant 0 : index
    %get3A_145 = vector.load %arg2[%get3A_142, %get3A_143, %get3A_144] : memref<8x256x1024xbf16, #tpu.memory_space<vmem>>, vector<1x256x1024xbf16>
    %get3A_146 = vector.shape_cast %get3A_145 : vector<1x256x1024xbf16> to vector<256x1024xbf16>
    %dot_general3A_147 = arith.constant dense<0.000000e+00> : vector<512x1024xf32>
    %dot_general3A_148 = tpu.matmul %sub3A_61, %get3A_146, %dot_general3A_147 {dimension_numbers = #tpu.dot_dimension_numbers<[1], [0], [0], [1], [0, 0, 1, 1], [], []>, transpose_lhs_hint = false} : vector<512x256xf32>, vector<256x1024xbf16>, vector<512x1024xf32> -> vector<512x1024xf32>
    %mul3A_149 = arith.constant 2.000000e+00 : f32
    %mul3A_150 = vector.broadcast %mul3A_149 : f32 to vector<512x1024xf32>
    %mul3A_151 = arith.mulf %mul3A_150, %dot_general3A_148 : vector<512x1024xf32>
    %sub3A_152 = vector.broadcast %broadcast_in_dim3A_141 : vector<512x1xf32> to vector<512x1024xf32>
    %sub3A_153 = arith.subf %sub3A_152, %mul3A_151 : vector<512x1024xf32>
    %get3A_154 = arith.constant 1 : index
    %get3A_155 = arith.constant 0 : index
    %get3A_156 = vector.load %arg6[%get3A_154, %get3A_155] : memref<8x1024xf32, #tpu.memory_space<vmem>>, vector<1x1024xf32>
    %get3A_157 = vector.shape_cast %get3A_156 : vector<1x1024xf32> to vector<1024xf32>
    %broadcast_in_dim3A_158 = vector.shape_cast %get3A_157 : vector<1024xf32> to vector<1x1024xf32>
    %add3A_159 = vector.broadcast %broadcast_in_dim3A_158 : vector<1x1024xf32> to vector<512x1024xf32>
    %add3A_160 = arith.addf %sub3A_153, %add3A_159 : vector<512x1024xf32>
    %reduce_min3A_161 = arith.constant dense<0x7F800000> : vector<512xf32>
    %reduce_min3A_162 = vector.multi_reduction <minimumf>, %add3A_160, %reduce_min3A_161 [1] : vector<512x1024xf32> to vector<512xf32>
    %broadcast_in_dim3A_163 = vector.shape_cast %reduce_min3A_162 : vector<512xf32> to vector<512x1xf32>
    %eq3A_164 = vector.broadcast %broadcast_in_dim3A_163 : vector<512x1xf32> to vector<512x1024xf32>
    %eq3A_165 = arith.cmpf oeq, %add3A_160, %eq3A_164 : vector<512x1024xf32>
    %jit3A_166 = arith.constant 1.024000e+03 : f32
    %broadcast_in_dim3A_167 = vector.broadcast %jit3A_166 : f32 to vector<512x1024xf32>
    %select_n3A_168 = arith.select %eq3A_165, %convert_element_type3A, %broadcast_in_dim3A_167 : vector<512x1024xi1>, vector<512x1024xf32>
    %reduce_min3A_169 = arith.constant dense<0x7F800000> : vector<512xf32>
    %reduce_min3A_170 = vector.multi_reduction <minimumf>, %select_n3A_168, %reduce_min3A_169 [1] : vector<512x1024xf32> to vector<512xf32>
    %broadcast_in_dim3A_171 = vector.shape_cast %reduce_min3A_170 : vector<512xf32> to vector<512x1xf32>
    %eq3A_172 = vector.broadcast %broadcast_in_dim3A_171 : vector<512x1xf32> to vector<512x1024xf32>
    %eq3A_173 = arith.cmpf oeq, %convert_element_type3A, %eq3A_172 : vector<512x1024xf32>
    %convert_element_type3A_174 = arith.extui %eq3A_173 : vector<512x1024xi1> to vector<512x1024xi32>
    %convert_element_type3A_175 = arith.sitofp %convert_element_type3A_174 : vector<512x1024xi32> to vector<512x1024xf32>
    %convert_element_type3A_176 = arith.truncf %convert_element_type3A_175 : vector<512x1024xf32> to vector<512x1024xbf16>
    %get3A_177 = arith.constant 1 : index
    %get3A_178 = arith.constant 0 : index
    %get3A_179 = arith.constant 0 : index
    %get3A_180 = vector.load %arg3[%get3A_177, %get3A_178, %get3A_179] : memref<8x1024x256xbf16, #tpu.memory_space<vmem>>, vector<1x1024x256xbf16>
    %get3A_181 = vector.shape_cast %get3A_180 : vector<1x1024x256xbf16> to vector<1024x256xbf16>
    %dot_general3A_182 = arith.constant dense<0.000000e+00> : vector<512x256xf32>
    %dot_general3A_183 = tpu.matmul %convert_element_type3A_176, %get3A_181, %dot_general3A_182 {dimension_numbers = #tpu.dot_dimension_numbers<[1], [0], [0], [1], [0, 0, 1, 1], [], []>, transpose_lhs_hint = false} : vector<512x1024xbf16>, vector<1024x256xbf16>, vector<512x256xf32> -> vector<512x256xf32>
    %get3A_184 = arith.constant 1 : index
    %get3A_185 = arith.constant 0 : index
    %get3A_186 = arith.constant 0 : index
    %get3A_187 = vector.load %arg4[%get3A_184, %get3A_185, %get3A_186] : memref<8x1024x256xbf16, #tpu.memory_space<vmem>>, vector<1x1024x256xbf16>
    %get3A_188 = vector.shape_cast %get3A_187 : vector<1x1024x256xbf16> to vector<1024x256xbf16>
    %dot_general3A_189 = arith.constant dense<0.000000e+00> : vector<512x256xf32>
    %dot_general3A_190 = tpu.matmul %convert_element_type3A_176, %get3A_188, %dot_general3A_189 {dimension_numbers = #tpu.dot_dimension_numbers<[1], [0], [0], [1], [0, 0, 1, 1], [], []>, transpose_lhs_hint = false} : vector<512x1024xbf16>, vector<1024x256xbf16>, vector<512x256xf32> -> vector<512x256xf32>
    %add3A_191 = arith.addf %dot_general3A_183, %dot_general3A_190 : vector<512x256xf32>
    %get3A_192 = arith.constant 1 : index
    %get3A_193 = arith.constant 0 : index
    %get3A_194 = arith.constant 0 : index
    %get3A_195 = vector.load %arg5[%get3A_192, %get3A_193, %get3A_194] : memref<8x1024x256xbf16, #tpu.memory_space<vmem>>, vector<1x1024x256xbf16>
    %get3A_196 = vector.shape_cast %get3A_195 : vector<1x1024x256xbf16> to vector<1024x256xbf16>
    %dot_general3A_197 = arith.constant dense<0.000000e+00> : vector<512x256xf32>
    %dot_general3A_198 = tpu.matmul %convert_element_type3A_176, %get3A_196, %dot_general3A_197 {dimension_numbers = #tpu.dot_dimension_numbers<[1], [0], [0], [1], [0, 0, 1, 1], [], []>, transpose_lhs_hint = false} : vector<512x1024xbf16>, vector<1024x256xbf16>, vector<512x256xf32> -> vector<512x256xf32>
    %add3A_199 = arith.addf %add3A_191, %dot_general3A_198 : vector<512x256xf32>
    %sub3A_200 = arith.subf %sub3A_61, %add3A_199 : vector<512x256xf32>
    %add3A_201 = arith.addf %add3A_62, %add3A_199 : vector<512x256xf32>
    %convert_element_type3A_202 = arith.fptosi %reduce_min3A_170 : vector<512xf32> to vector<512xi32>
    %swap3A_203 = arith.constant 0 : index
    %swap3A_204 = arith.constant 1 : index
    %swap3A_205 = vector.load %arg8[%swap3A_203, %swap3A_204] : memref<1024x8xi32, #tpu.memory_space<vmem>>, vector<512x1xi32>
    %swap3A_206 = vector.shape_cast %swap3A_205 : vector<512x1xi32> to vector<512xi32>
    %swap3A_207 = vector.shape_cast %convert_element_type3A_202 : vector<512xi32> to vector<512x1xi32>
    tpu.vector_store %arg8[%swap3A_203, %swap3A_204], %swap3A_207 {strides = array<i32>} : memref<1024x8xi32, #tpu.memory_space<vmem>>, vector<512x1xi32>,
    %mul3A_208 = arith.mulf %sub3A_130, %sub3A_130 : vector<512x256xf32>
    %reduce_sum3A_209 = arith.constant dense<0.000000e+00> : vector<512xf32>
    %reduce_sum3A_210 = vector.multi_reduction <add>, %mul3A_208, %reduce_sum3A_209 [1] : vector<512x256xf32> to vector<512xf32>
    %broadcast_in_dim3A_211 = vector.shape_cast %reduce_sum3A_210 : vector<512xf32> to vector<512x1xf32>
    %get3A_212 = arith.constant 1 : index
    %get3A_213 = arith.constant 0 : index
    %get3A_214 = arith.constant 0 : index
    %get3A_215 = vector.load %arg2[%get3A_212, %get3A_213, %get3A_214] : memref<8x256x1024xbf16, #tpu.memory_space<vmem>>, vector<1x256x1024xbf16>
    %get3A_216 = vector.shape_cast %get3A_215 : vector<1x256x1024xbf16> to vector<256x1024xbf16>
    %dot_general3A_217 = arith.constant dense<0.000000e+00> : vector<512x1024xf32>
    %dot_general3A_218 = tpu.matmul %sub3A_130, %get3A_216, %dot_general3A_217 {dimension_numbers = #tpu.dot_dimension_numbers<[1], [0], [0], [1], [0, 0, 1, 1], [], []>, transpose_lhs_hint = false} : vector<512x256xf32>, vector<256x1024xbf16>, vector<512x1024xf32> -> vector<512x1024xf32>
    %mul3A_219 = arith.constant 2.000000e+00 : f32
    %mul3A_220 = vector.broadcast %mul3A_219 : f32 to vector<512x1024xf32>
    %mul3A_221 = arith.mulf %mul3A_220, %dot_general3A_218 : vector<512x1024xf32>
    %sub3A_222 = vector.broadcast %broadcast_in_dim3A_211 : vector<512x1xf32> to vector<512x1024xf32>
    %sub3A_223 = arith.subf %sub3A_222, %mul3A_221 : vector<512x1024xf32>
    %get3A_224 = arith.constant 1 : index
    %get3A_225 = arith.constant 0 : index
    %get3A_226 = vector.load %arg6[%get3A_224, %get3A_225] : memref<8x1024xf32, #tpu.memory_space<vmem>>, vector<1x1024xf32>
    %get3A_227 = vector.shape_cast %get3A_226 : vector<1x1024xf32> to vector<1024xf32>
    %broadcast_in_dim3A_228 = vector.shape_cast %get3A_227 : vector<1024xf32> to vector<1x1024xf32>
    %add3A_229 = vector.broadcast %broadcast_in_dim3A_228 : vector<1x1024xf32> to vector<512x1024xf32>
    %add3A_230 = arith.addf %sub3A_223, %add3A_229 : vector<512x1024xf32>
    %reduce_min3A_231 = arith.constant dense<0x7F800000> : vector<512xf32>
    %reduce_min3A_232 = vector.multi_reduction <minimumf>, %add3A_230, %reduce_min3A_231 [1] : vector<512x1024xf32> to vector<512xf32>
    %broadcast_in_dim3A_233 = vector.shape_cast %reduce_min3A_232 : vector<512xf32> to vector<512x1xf32>
    %eq3A_234 = vector.broadcast %broadcast_in_dim3A_233 : vector<512x1xf32> to vector<512x1024xf32>
    %eq3A_235 = arith.cmpf oeq, %add3A_230, %eq3A_234 : vector<512x1024xf32>
    %jit3A_236 = arith.constant 1.024000e+03 : f32
    %broadcast_in_dim3A_237 = vector.broadcast %jit3A_236 : f32 to vector<512x1024xf32>
    %select_n3A_238 = arith.select %eq3A_235, %convert_element_type3A, %broadcast_in_dim3A_237 : vector<512x1024xi1>, vector<512x1024xf32>
    %reduce_min3A_239 = arith.constant dense<0x7F800000> : vector<512xf32>
    %reduce_min3A_240 = vector.multi_reduction <minimumf>, %select_n3A_238, %reduce_min3A_239 [1] : vector<512x1024xf32> to vector<512xf32>
    %broadcast_in_dim3A_241 = vector.shape_cast %reduce_min3A_240 : vector<512xf32> to vector<512x1xf32>
    %eq3A_242 = vector.broadcast %broadcast_in_dim3A_241 : vector<512x1xf32> to vector<512x1024xf32>
    %eq3A_243 = arith.cmpf oeq, %convert_element_type3A, %eq3A_242 : vector<512x1024xf32>
    %convert_element_type3A_244 = arith.extui %eq3A_243 : vector<512x1024xi1> to vector<512x1024xi32>
    %convert_element_type3A_245 = arith.sitofp %convert_element_type3A_244 : vector<512x1024xi32> to vector<512x1024xf32>
    %convert_element_type3A_246 = arith.truncf %convert_element_type3A_245 : vector<512x1024xf32> to vector<512x1024xbf16>
    %get3A_247 = arith.constant 1 : index
    %get3A_248 = arith.constant 0 : index
    %get3A_249 = arith.constant 0 : index
    %get3A_250 = vector.load %arg3[%get3A_247, %get3A_248, %get3A_249] : memref<8x1024x256xbf16, #tpu.memory_space<vmem>>, vector<1x1024x256xbf16>
    %get3A_251 = vector.shape_cast %get3A_250 : vector<1x1024x256xbf16> to vector<1024x256xbf16>
    %dot_general3A_252 = arith.constant dense<0.000000e+00> : vector<512x256xf32>
    %dot_general3A_253 = tpu.matmul %convert_element_type3A_246, %get3A_251, %dot_general3A_252 {dimension_numbers = #tpu.dot_dimension_numbers<[1], [0], [0], [1], [0, 0, 1, 1], [], []>, transpose_lhs_hint = false} : vector<512x1024xbf16>, vector<1024x256xbf16>, vector<512x256xf32> -> vector<512x256xf32>
    %get3A_254 = arith.constant 1 : index
    %get3A_255 = arith.constant 0 : index
    %get3A_256 = arith.constant 0 : index
    %get3A_257 = vector.load %arg4[%get3A_254, %get3A_255, %get3A_256] : memref<8x1024x256xbf16, #tpu.memory_space<vmem>>, vector<1x1024x256xbf16>
    %get3A_258 = vector.shape_cast %get3A_257 : vector<1x1024x256xbf16> to vector<1024x256xbf16>
    %dot_general3A_259 = arith.constant dense<0.000000e+00> : vector<512x256xf32>
    %dot_general3A_260 = tpu.matmul %convert_element_type3A_246, %get3A_258, %dot_general3A_259 {dimension_numbers = #tpu.dot_dimension_numbers<[1], [0], [0], [1], [0, 0, 1, 1], [], []>, transpose_lhs_hint = false} : vector<512x1024xbf16>, vector<1024x256xbf16>, vector<512x256xf32> -> vector<512x256xf32>
    %add3A_261 = arith.addf %dot_general3A_253, %dot_general3A_260 : vector<512x256xf32>
    %get3A_262 = arith.constant 1 : index
    %get3A_263 = arith.constant 0 : index
    %get3A_264 = arith.constant 0 : index
    %get3A_265 = vector.load %arg5[%get3A_262, %get3A_263, %get3A_264] : memref<8x1024x256xbf16, #tpu.memory_space<vmem>>, vector<1x1024x256xbf16>
    %get3A_266 = vector.shape_cast %get3A_265 : vector<1x1024x256xbf16> to vector<1024x256xbf16>
    %dot_general3A_267 = arith.constant dense<0.000000e+00> : vector<512x256xf32>
    %dot_general3A_268 = tpu.matmul %convert_element_type3A_246, %get3A_266, %dot_general3A_267 {dimension_numbers = #tpu.dot_dimension_numbers<[1], [0], [0], [1], [0, 0, 1, 1], [], []>, transpose_lhs_hint = false} : vector<512x1024xbf16>, vector<1024x256xbf16>, vector<512x256xf32> -> vector<512x256xf32>
    %add3A_269 = arith.addf %add3A_261, %dot_general3A_268 : vector<512x256xf32>
    %sub3A_270 = arith.subf %sub3A_130, %add3A_269 : vector<512x256xf32>
    %add3A_271 = arith.addf %add3A_131, %add3A_269 : vector<512x256xf32>
    %convert_element_type3A_272 = arith.fptosi %reduce_min3A_240 : vector<512xf32> to vector<512xi32>
    %swap3A_273 = arith.constant 512 : index
    %swap3A_274 = arith.constant 1 : index
    %swap3A_275 = vector.load %arg8[%swap3A_273, %swap3A_274] : memref<1024x8xi32, #tpu.memory_space<vmem>>, vector<512x1xi32>
    %swap3A_276 = vector.shape_cast %swap3A_275 : vector<512x1xi32> to vector<512xi32>
    %swap3A_277 = vector.shape_cast %convert_element_type3A_272 : vector<512xi32> to vector<512x1xi32>
    tpu.vector_store %arg8[%swap3A_273, %swap3A_274], %swap3A_277 {strides = array<i32>} : memref<1024x8xi32, #tpu.memory_space<vmem>>, vector<512x1xi32>,
    %mul3A_278 = arith.mulf %sub3A_200, %sub3A_200 : vector<512x256xf32>
    %reduce_sum3A_279 = arith.constant dense<0.000000e+00> : vector<512xf32>
    %reduce_sum3A_280 = vector.multi_reduction <add>, %mul3A_278, %reduce_sum3A_279 [1] : vector<512x256xf32> to vector<512xf32>
    %broadcast_in_dim3A_281 = vector.shape_cast %reduce_sum3A_280 : vector<512xf32> to vector<512x1xf32>
    %get3A_282 = arith.constant 2 : index
    %get3A_283 = arith.constant 0 : index
    %get3A_284 = arith.constant 0 : index
    %get3A_285 = vector.load %arg2[%get3A_282, %get3A_283, %get3A_284] : memref<8x256x1024xbf16, #tpu.memory_space<vmem>>, vector<1x256x1024xbf16>
    %get3A_286 = vector.shape_cast %get3A_285 : vector<1x256x1024xbf16> to vector<256x1024xbf16>
    %dot_general3A_287 = arith.constant dense<0.000000e+00> : vector<512x1024xf32>
    %dot_general3A_288 = tpu.matmul %sub3A_200, %get3A_286, %dot_general3A_287 {dimension_numbers = #tpu.dot_dimension_numbers<[1], [0], [0], [1], [0, 0, 1, 1], [], []>, transpose_lhs_hint = false} : vector<512x256xf32>, vector<256x1024xbf16>, vector<512x1024xf32> -> vector<512x1024xf32>
    %mul3A_289 = arith.constant 2.000000e+00 : f32
    %mul3A_290 = vector.broadcast %mul3A_289 : f32 to vector<512x1024xf32>
    %mul3A_291 = arith.mulf %mul3A_290, %dot_general3A_288 : vector<512x1024xf32>
    %sub3A_292 = vector.broadcast %broadcast_in_dim3A_281 : vector<512x1xf32> to vector<512x1024xf32>
    %sub3A_293 = arith.subf %sub3A_292, %mul3A_291 : vector<512x1024xf32>
    %get3A_294 = arith.constant 2 : index
    %get3A_295 = arith.constant 0 : index
    %get3A_296 = vector.load %arg6[%get3A_294, %get3A_295] : memref<8x1024xf32, #tpu.memory_space<vmem>>, vector<1x1024xf32>
    %get3A_297 = vector.shape_cast %get3A_296 : vector<1x1024xf32> to vector<1024xf32>
    %broadcast_in_dim3A_298 = vector.shape_cast %get3A_297 : vector<1024xf32> to vector<1x1024xf32>
    %add3A_299 = vector.broadcast %broadcast_in_dim3A_298 : vector<1x1024xf32> to vector<512x1024xf32>
    %add3A_300 = arith.addf %sub3A_293, %add3A_299 : vector<512x1024xf32>
    %reduce_min3A_301 = arith.constant dense<0x7F800000> : vector<512xf32>
    %reduce_min3A_302 = vector.multi_reduction <minimumf>, %add3A_300, %reduce_min3A_301 [1] : vector<512x1024xf32> to vector<512xf32>
    %broadcast_in_dim3A_303 = vector.shape_cast %reduce_min3A_302 : vector<512xf32> to vector<512x1xf32>
    %eq3A_304 = vector.broadcast %broadcast_in_dim3A_303 : vector<512x1xf32> to vector<512x1024xf32>
    %eq3A_305 = arith.cmpf oeq, %add3A_300, %eq3A_304 : vector<512x1024xf32>
    %jit3A_306 = arith.constant 1.024000e+03 : f32
    %broadcast_in_dim3A_307 = vector.broadcast %jit3A_306 : f32 to vector<512x1024xf32>
    %select_n3A_308 = arith.select %eq3A_305, %convert_element_type3A, %broadcast_in_dim3A_307 : vector<512x1024xi1>, vector<512x1024xf32>
    %reduce_min3A_309 = arith.constant dense<0x7F800000> : vector<512xf32>
    %reduce_min3A_310 = vector.multi_reduction <minimumf>, %select_n3A_308, %reduce_min3A_309 [1] : vector<512x1024xf32> to vector<512xf32>
    %broadcast_in_dim3A_311 = vector.shape_cast %reduce_min3A_310 : vector<512xf32> to vector<512x1xf32>
    %eq3A_312 = vector.broadcast %broadcast_in_dim3A_311 : vector<512x1xf32> to vector<512x1024xf32>
    %eq3A_313 = arith.cmpf oeq, %convert_element_type3A, %eq3A_312 : vector<512x1024xf32>
    %convert_element_type3A_314 = arith.extui %eq3A_313 : vector<512x1024xi1> to vector<512x1024xi32>
    %convert_element_type3A_315 = arith.sitofp %convert_element_type3A_314 : vector<512x1024xi32> to vector<512x1024xf32>
    %convert_element_type3A_316 = arith.truncf %convert_element_type3A_315 : vector<512x1024xf32> to vector<512x1024xbf16>
    %get3A_317 = arith.constant 2 : index
    %get3A_318 = arith.constant 0 : index
    %get3A_319 = arith.constant 0 : index
    %get3A_320 = vector.load %arg3[%get3A_317, %get3A_318, %get3A_319] : memref<8x1024x256xbf16, #tpu.memory_space<vmem>>, vector<1x1024x256xbf16>
    %get3A_321 = vector.shape_cast %get3A_320 : vector<1x1024x256xbf16> to vector<1024x256xbf16>
    %dot_general3A_322 = arith.constant dense<0.000000e+00> : vector<512x256xf32>
    %dot_general3A_323 = tpu.matmul %convert_element_type3A_316, %get3A_321, %dot_general3A_322 {dimension_numbers = #tpu.dot_dimension_numbers<[1], [0], [0], [1], [0, 0, 1, 1], [], []>, transpose_lhs_hint = false} : vector<512x1024xbf16>, vector<1024x256xbf16>, vector<512x256xf32> -> vector<512x256xf32>
    %get3A_324 = arith.constant 2 : index
    %get3A_325 = arith.constant 0 : index
    %get3A_326 = arith.constant 0 : index
    %get3A_327 = vector.load %arg4[%get3A_324, %get3A_325, %get3A_326] : memref<8x1024x256xbf16, #tpu.memory_space<vmem>>, vector<1x1024x256xbf16>
    %get3A_328 = vector.shape_cast %get3A_327 : vector<1x1024x256xbf16> to vector<1024x256xbf16>
    %dot_general3A_329 = arith.constant dense<0.000000e+00> : vector<512x256xf32>
    %dot_general3A_330 = tpu.matmul %convert_element_type3A_316, %get3A_328, %dot_general3A_329 {dimension_numbers = #tpu.dot_dimension_numbers<[1], [0], [0], [1], [0, 0, 1, 1], [], []>, transpose_lhs_hint = false} : vector<512x1024xbf16>, vector<1024x256xbf16>, vector<512x256xf32> -> vector<512x256xf32>
    %add3A_331 = arith.addf %dot_general3A_323, %dot_general3A_330 : vector<512x256xf32>
    %get3A_332 = arith.constant 2 : index
    %get3A_333 = arith.constant 0 : index
    %get3A_334 = arith.constant 0 : index
    %get3A_335 = vector.load %arg5[%get3A_332, %get3A_333, %get3A_334] : memref<8x1024x256xbf16, #tpu.memory_space<vmem>>, vector<1x1024x256xbf16>
    %get3A_336 = vector.shape_cast %get3A_335 : vector<1x1024x256xbf16> to vector<1024x256xbf16>
    %dot_general3A_337 = arith.constant dense<0.000000e+00> : vector<512x256xf32>
    %dot_general3A_338 = tpu.matmul %convert_element_type3A_316, %get3A_336, %dot_general3A_337 {dimension_numbers = #tpu.dot_dimension_numbers<[1], [0], [0], [1], [0, 0, 1, 1], [], []>, transpose_lhs_hint = false} : vector<512x1024xbf16>, vector<1024x256xbf16>, vector<512x256xf32> -> vector<512x256xf32>
    %add3A_339 = arith.addf %add3A_331, %dot_general3A_338 : vector<512x256xf32>
    %sub3A_340 = arith.subf %sub3A_200, %add3A_339 : vector<512x256xf32>
    %add3A_341 = arith.addf %add3A_201, %add3A_339 : vector<512x256xf32>
    %convert_element_type3A_342 = arith.fptosi %reduce_min3A_310 : vector<512xf32> to vector<512xi32>
    %swap3A_343 = arith.constant 0 : index
    %swap3A_344 = arith.constant 2 : index
    %swap3A_345 = vector.load %arg8[%swap3A_343, %swap3A_344] : memref<1024x8xi32, #tpu.memory_space<vmem>>, vector<512x1xi32>
    %swap3A_346 = vector.shape_cast %swap3A_345 : vector<512x1xi32> to vector<512xi32>
    %swap3A_347 = vector.shape_cast %convert_element_type3A_342 : vector<512xi32> to vector<512x1xi32>
    tpu.vector_store %arg8[%swap3A_343, %swap3A_344], %swap3A_347 {strides = array<i32>} : memref<1024x8xi32, #tpu.memory_space<vmem>>, vector<512x1xi32>,
    %mul3A_348 = arith.mulf %sub3A_270, %sub3A_270 : vector<512x256xf32>
    %reduce_sum3A_349 = arith.constant dense<0.000000e+00> : vector<512xf32>
    %reduce_sum3A_350 = vector.multi_reduction <add>, %mul3A_348, %reduce_sum3A_349 [1] : vector<512x256xf32> to vector<512xf32>
    %broadcast_in_dim3A_351 = vector.shape_cast %reduce_sum3A_350 : vector<512xf32> to vector<512x1xf32>
    %get3A_352 = arith.constant 2 : index
    %get3A_353 = arith.constant 0 : index
    %get3A_354 = arith.constant 0 : index
    %get3A_355 = vector.load %arg2[%get3A_352, %get3A_353, %get3A_354] : memref<8x256x1024xbf16, #tpu.memory_space<vmem>>, vector<1x256x1024xbf16>
    %get3A_356 = vector.shape_cast %get3A_355 : vector<1x256x1024xbf16> to vector<256x1024xbf16>
    %dot_general3A_357 = arith.constant dense<0.000000e+00> : vector<512x1024xf32>
    %dot_general3A_358 = tpu.matmul %sub3A_270, %get3A_356, %dot_general3A_357 {dimension_numbers = #tpu.dot_dimension_numbers<[1], [0], [0], [1], [0, 0, 1, 1], [], []>, transpose_lhs_hint = false} : vector<512x256xf32>, vector<256x1024xbf16>, vector<512x1024xf32> -> vector<512x1024xf32>
    %mul3A_359 = arith.constant 2.000000e+00 : f32
    %mul3A_360 = vector.broadcast %mul3A_359 : f32 to vector<512x1024xf32>
    %mul3A_361 = arith.mulf %mul3A_360, %dot_general3A_358 : vector<512x1024xf32>
    %sub3A_362 = vector.broadcast %broadcast_in_dim3A_351 : vector<512x1xf32> to vector<512x1024xf32>
    %sub3A_363 = arith.subf %sub3A_362, %mul3A_361 : vector<512x1024xf32>
    %get3A_364 = arith.constant 2 : index
    %get3A_365 = arith.constant 0 : index
    %get3A_366 = vector.load %arg6[%get3A_364, %get3A_365] : memref<8x1024xf32, #tpu.memory_space<vmem>>, vector<1x1024xf32>
    %get3A_367 = vector.shape_cast %get3A_366 : vector<1x1024xf32> to vector<1024xf32>
    %broadcast_in_dim3A_368 = vector.shape_cast %get3A_367 : vector<1024xf32> to vector<1x1024xf32>
    %add3A_369 = vector.broadcast %broadcast_in_dim3A_368 : vector<1x1024xf32> to vector<512x1024xf32>
    %add3A_370 = arith.addf %sub3A_363, %add3A_369 : vector<512x1024xf32>
    %reduce_min3A_371 = arith.constant dense<0x7F800000> : vector<512xf32>
    %reduce_min3A_372 = vector.multi_reduction <minimumf>, %add3A_370, %reduce_min3A_371 [1] : vector<512x1024xf32> to vector<512xf32>
    %broadcast_in_dim3A_373 = vector.shape_cast %reduce_min3A_372 : vector<512xf32> to vector<512x1xf32>
    %eq3A_374 = vector.broadcast %broadcast_in_dim3A_373 : vector<512x1xf32> to vector<512x1024xf32>
    %eq3A_375 = arith.cmpf oeq, %add3A_370, %eq3A_374 : vector<512x1024xf32>
    %jit3A_376 = arith.constant 1.024000e+03 : f32
    %broadcast_in_dim3A_377 = vector.broadcast %jit3A_376 : f32 to vector<512x1024xf32>
    %select_n3A_378 = arith.select %eq3A_375, %convert_element_type3A, %broadcast_in_dim3A_377 : vector<512x1024xi1>, vector<512x1024xf32>
    %reduce_min3A_379 = arith.constant dense<0x7F800000> : vector<512xf32>
    %reduce_min3A_380 = vector.multi_reduction <minimumf>, %select_n3A_378, %reduce_min3A_379 [1] : vector<512x1024xf32> to vector<512xf32>
    %broadcast_in_dim3A_381 = vector.shape_cast %reduce_min3A_380 : vector<512xf32> to vector<512x1xf32>
    %eq3A_382 = vector.broadcast %broadcast_in_dim3A_381 : vector<512x1xf32> to vector<512x1024xf32>
    %eq3A_383 = arith.cmpf oeq, %convert_element_type3A, %eq3A_382 : vector<512x1024xf32>
    %convert_element_type3A_384 = arith.extui %eq3A_383 : vector<512x1024xi1> to vector<512x1024xi32>
    %convert_element_type3A_385 = arith.sitofp %convert_element_type3A_384 : vector<512x1024xi32> to vector<512x1024xf32>
    %convert_element_type3A_386 = arith.truncf %convert_element_type3A_385 : vector<512x1024xf32> to vector<512x1024xbf16>
    %get3A_387 = arith.constant 2 : index
    %get3A_388 = arith.constant 0 : index
    %get3A_389 = arith.constant 0 : index
    %get3A_390 = vector.load %arg3[%get3A_387, %get3A_388, %get3A_389] : memref<8x1024x256xbf16, #tpu.memory_space<vmem>>, vector<1x1024x256xbf16>
    %get3A_391 = vector.shape_cast %get3A_390 : vector<1x1024x256xbf16> to vector<1024x256xbf16>
    %dot_general3A_392 = arith.constant dense<0.000000e+00> : vector<512x256xf32>
    %dot_general3A_393 = tpu.matmul %convert_element_type3A_386, %get3A_391, %dot_general3A_392 {dimension_numbers = #tpu.dot_dimension_numbers<[1], [0], [0], [1], [0, 0, 1, 1], [], []>, transpose_lhs_hint = false} : vector<512x1024xbf16>, vector<1024x256xbf16>, vector<512x256xf32> -> vector<512x256xf32>
    %get3A_394 = arith.constant 2 : index
    %get3A_395 = arith.constant 0 : index
    %get3A_396 = arith.constant 0 : index
    %get3A_397 = vector.load %arg4[%get3A_394, %get3A_395, %get3A_396] : memref<8x1024x256xbf16, #tpu.memory_space<vmem>>, vector<1x1024x256xbf16>
    %get3A_398 = vector.shape_cast %get3A_397 : vector<1x1024x256xbf16> to vector<1024x256xbf16>
    %dot_general3A_399 = arith.constant dense<0.000000e+00> : vector<512x256xf32>
    %dot_general3A_400 = tpu.matmul %convert_element_type3A_386, %get3A_398, %dot_general3A_399 {dimension_numbers = #tpu.dot_dimension_numbers<[1], [0], [0], [1], [0, 0, 1, 1], [], []>, transpose_lhs_hint = false} : vector<512x1024xbf16>, vector<1024x256xbf16>, vector<512x256xf32> -> vector<512x256xf32>
    %add3A_401 = arith.addf %dot_general3A_393, %dot_general3A_400 : vector<512x256xf32>
    %get3A_402 = arith.constant 2 : index
    %get3A_403 = arith.constant 0 : index
    %get3A_404 = arith.constant 0 : index
    %get3A_405 = vector.load %arg5[%get3A_402, %get3A_403, %get3A_404] : memref<8x1024x256xbf16, #tpu.memory_space<vmem>>, vector<1x1024x256xbf16>
    %get3A_406 = vector.shape_cast %get3A_405 : vector<1x1024x256xbf16> to vector<1024x256xbf16>
    %dot_general3A_407 = arith.constant dense<0.000000e+00> : vector<512x256xf32>
    %dot_general3A_408 = tpu.matmul %convert_element_type3A_386, %get3A_406, %dot_general3A_407 {dimension_numbers = #tpu.dot_dimension_numbers<[1], [0], [0], [1], [0, 0, 1, 1], [], []>, transpose_lhs_hint = false} : vector<512x1024xbf16>, vector<1024x256xbf16>, vector<512x256xf32> -> vector<512x256xf32>
    %add3A_409 = arith.addf %add3A_401, %dot_general3A_408 : vector<512x256xf32>
    %sub3A_410 = arith.subf %sub3A_270, %add3A_409 : vector<512x256xf32>
    %add3A_411 = arith.addf %add3A_271, %add3A_409 : vector<512x256xf32>
    %convert_element_type3A_412 = arith.fptosi %reduce_min3A_380 : vector<512xf32> to vector<512xi32>
    %swap3A_413 = arith.constant 512 : index
    %swap3A_414 = arith.constant 2 : index
    %swap3A_415 = vector.load %arg8[%swap3A_413, %swap3A_414] : memref<1024x8xi32, #tpu.memory_space<vmem>>, vector<512x1xi32>
    %swap3A_416 = vector.shape_cast %swap3A_415 : vector<512x1xi32> to vector<512xi32>
    %swap3A_417 = vector.shape_cast %convert_element_type3A_412 : vector<512xi32> to vector<512x1xi32>
    tpu.vector_store %arg8[%swap3A_413, %swap3A_414], %swap3A_417 {strides = array<i32>} : memref<1024x8xi32, #tpu.memory_space<vmem>>, vector<512x1xi32>,
    %mul3A_418 = arith.mulf %sub3A_340, %sub3A_340 : vector<512x256xf32>
    %reduce_sum3A_419 = arith.constant dense<0.000000e+00> : vector<512xf32>
    %reduce_sum3A_420 = vector.multi_reduction <add>, %mul3A_418, %reduce_sum3A_419 [1] : vector<512x256xf32> to vector<512xf32>
    %broadcast_in_dim3A_421 = vector.shape_cast %reduce_sum3A_420 : vector<512xf32> to vector<512x1xf32>
    %get3A_422 = arith.constant 3 : index
    %get3A_423 = arith.constant 0 : index
    %get3A_424 = arith.constant 0 : index
    %get3A_425 = vector.load %arg2[%get3A_422, %get3A_423, %get3A_424] : memref<8x256x1024xbf16, #tpu.memory_space<vmem>>, vector<1x256x1024xbf16>
    %get3A_426 = vector.shape_cast %get3A_425 : vector<1x256x1024xbf16> to vector<256x1024xbf16>
    %dot_general3A_427 = arith.constant dense<0.000000e+00> : vector<512x1024xf32>
    %dot_general3A_428 = tpu.matmul %sub3A_340, %get3A_426, %dot_general3A_427 {dimension_numbers = #tpu.dot_dimension_numbers<[1], [0], [0], [1], [0, 0, 1, 1], [], []>, transpose_lhs_hint = false} : vector<512x256xf32>, vector<256x1024xbf16>, vector<512x1024xf32> -> vector<512x1024xf32>
    %mul3A_429 = arith.constant 2.000000e+00 : f32
    %mul3A_430 = vector.broadcast %mul3A_429 : f32 to vector<512x1024xf32>
    %mul3A_431 = arith.mulf %mul3A_430, %dot_general3A_428 : vector<512x1024xf32>
    %sub3A_432 = vector.broadcast %broadcast_in_dim3A_421 : vector<512x1xf32> to vector<512x1024xf32>
    %sub3A_433 = arith.subf %sub3A_432, %mul3A_431 : vector<512x1024xf32>
    %get3A_434 = arith.constant 3 : index
    %get3A_435 = arith.constant 0 : index
    %get3A_436 = vector.load %arg6[%get3A_434, %get3A_435] : memref<8x1024xf32, #tpu.memory_space<vmem>>, vector<1x1024xf32>
    %get3A_437 = vector.shape_cast %get3A_436 : vector<1x1024xf32> to vector<1024xf32>
    %broadcast_in_dim3A_438 = vector.shape_cast %get3A_437 : vector<1024xf32> to vector<1x1024xf32>
    %add3A_439 = vector.broadcast %broadcast_in_dim3A_438 : vector<1x1024xf32> to vector<512x1024xf32>
    %add3A_440 = arith.addf %sub3A_433, %add3A_439 : vector<512x1024xf32>
    %reduce_min3A_441 = arith.constant dense<0x7F800000> : vector<512xf32>
    %reduce_min3A_442 = vector.multi_reduction <minimumf>, %add3A_440, %reduce_min3A_441 [1] : vector<512x1024xf32> to vector<512xf32>
    %broadcast_in_dim3A_443 = vector.shape_cast %reduce_min3A_442 : vector<512xf32> to vector<512x1xf32>
    %eq3A_444 = vector.broadcast %broadcast_in_dim3A_443 : vector<512x1xf32> to vector<512x1024xf32>
    %eq3A_445 = arith.cmpf oeq, %add3A_440, %eq3A_444 : vector<512x1024xf32>
    %jit3A_446 = arith.constant 1.024000e+03 : f32
    %broadcast_in_dim3A_447 = vector.broadcast %jit3A_446 : f32 to vector<512x1024xf32>
    %select_n3A_448 = arith.select %eq3A_445, %convert_element_type3A, %broadcast_in_dim3A_447 : vector<512x1024xi1>, vector<512x1024xf32>
    %reduce_min3A_449 = arith.constant dense<0x7F800000> : vector<512xf32>
    %reduce_min3A_450 = vector.multi_reduction <minimumf>, %select_n3A_448, %reduce_min3A_449 [1] : vector<512x1024xf32> to vector<512xf32>
    %broadcast_in_dim3A_451 = vector.shape_cast %reduce_min3A_450 : vector<512xf32> to vector<512x1xf32>
    %eq3A_452 = vector.broadcast %broadcast_in_dim3A_451 : vector<512x1xf32> to vector<512x1024xf32>
    %eq3A_453 = arith.cmpf oeq, %convert_element_type3A, %eq3A_452 : vector<512x1024xf32>
    %convert_element_type3A_454 = arith.extui %eq3A_453 : vector<512x1024xi1> to vector<512x1024xi32>
    %convert_element_type3A_455 = arith.sitofp %convert_element_type3A_454 : vector<512x1024xi32> to vector<512x1024xf32>
    %convert_element_type3A_456 = arith.truncf %convert_element_type3A_455 : vector<512x1024xf32> to vector<512x1024xbf16>
    %get3A_457 = arith.constant 3 : index
    %get3A_458 = arith.constant 0 : index
    %get3A_459 = arith.constant 0 : index
    %get3A_460 = vector.load %arg3[%get3A_457, %get3A_458, %get3A_459] : memref<8x1024x256xbf16, #tpu.memory_space<vmem>>, vector<1x1024x256xbf16>
    %get3A_461 = vector.shape_cast %get3A_460 : vector<1x1024x256xbf16> to vector<1024x256xbf16>
    %dot_general3A_462 = arith.constant dense<0.000000e+00> : vector<512x256xf32>
    %dot_general3A_463 = tpu.matmul %convert_element_type3A_456, %get3A_461, %dot_general3A_462 {dimension_numbers = #tpu.dot_dimension_numbers<[1], [0], [0], [1], [0, 0, 1, 1], [], []>, transpose_lhs_hint = false} : vector<512x1024xbf16>, vector<1024x256xbf16>, vector<512x256xf32> -> vector<512x256xf32>
    %get3A_464 = arith.constant 3 : index
    %get3A_465 = arith.constant 0 : index
    %get3A_466 = arith.constant 0 : index
    %get3A_467 = vector.load %arg4[%get3A_464, %get3A_465, %get3A_466] : memref<8x1024x256xbf16, #tpu.memory_space<vmem>>, vector<1x1024x256xbf16>
    %get3A_468 = vector.shape_cast %get3A_467 : vector<1x1024x256xbf16> to vector<1024x256xbf16>
    %dot_general3A_469 = arith.constant dense<0.000000e+00> : vector<512x256xf32>
    %dot_general3A_470 = tpu.matmul %convert_element_type3A_456, %get3A_468, %dot_general3A_469 {dimension_numbers = #tpu.dot_dimension_numbers<[1], [0], [0], [1], [0, 0, 1, 1], [], []>, transpose_lhs_hint = false} : vector<512x1024xbf16>, vector<1024x256xbf16>, vector<512x256xf32> -> vector<512x256xf32>
    %add3A_471 = arith.addf %dot_general3A_463, %dot_general3A_470 : vector<512x256xf32>
    %get3A_472 = arith.constant 3 : index
    %get3A_473 = arith.constant 0 : index
    %get3A_474 = arith.constant 0 : index
    %get3A_475 = vector.load %arg5[%get3A_472, %get3A_473, %get3A_474] : memref<8x1024x256xbf16, #tpu.memory_space<vmem>>, vector<1x1024x256xbf16>
    %get3A_476 = vector.shape_cast %get3A_475 : vector<1x1024x256xbf16> to vector<1024x256xbf16>
    %dot_general3A_477 = arith.constant dense<0.000000e+00> : vector<512x256xf32>
    %dot_general3A_478 = tpu.matmul %convert_element_type3A_456, %get3A_476, %dot_general3A_477 {dimension_numbers = #tpu.dot_dimension_numbers<[1], [0], [0], [1], [0, 0, 1, 1], [], []>, transpose_lhs_hint = false} : vector<512x1024xbf16>, vector<1024x256xbf16>, vector<512x256xf32> -> vector<512x256xf32>
    %add3A_479 = arith.addf %add3A_471, %dot_general3A_478 : vector<512x256xf32>
    %sub3A_480 = arith.subf %sub3A_340, %add3A_479 : vector<512x256xf32>
    %add3A_481 = arith.addf %add3A_341, %add3A_479 : vector<512x256xf32>
    %convert_element_type3A_482 = arith.fptosi %reduce_min3A_450 : vector<512xf32> to vector<512xi32>
    %swap3A_483 = arith.constant 0 : index
    %swap3A_484 = arith.constant 3 : index
    %swap3A_485 = vector.load %arg8[%swap3A_483, %swap3A_484] : memref<1024x8xi32, #tpu.memory_space<vmem>>, vector<512x1xi32>
    %swap3A_486 = vector.shape_cast %swap3A_485 : vector<512x1xi32> to vector<512xi32>
    %swap3A_487 = vector.shape_cast %convert_element_type3A_482 : vector<512xi32> to vector<512x1xi32>
    tpu.vector_store %arg8[%swap3A_483, %swap3A_484], %swap3A_487 {strides = array<i32>} : memref<1024x8xi32, #tpu.memory_space<vmem>>, vector<512x1xi32>,
    %mul3A_488 = arith.mulf %sub3A_410, %sub3A_410 : vector<512x256xf32>
    %reduce_sum3A_489 = arith.constant dense<0.000000e+00> : vector<512xf32>
    %reduce_sum3A_490 = vector.multi_reduction <add>, %mul3A_488, %reduce_sum3A_489 [1] : vector<512x256xf32> to vector<512xf32>
    %broadcast_in_dim3A_491 = vector.shape_cast %reduce_sum3A_490 : vector<512xf32> to vector<512x1xf32>
    %get3A_492 = arith.constant 3 : index
    %get3A_493 = arith.constant 0 : index
    %get3A_494 = arith.constant 0 : index
    %get3A_495 = vector.load %arg2[%get3A_492, %get3A_493, %get3A_494] : memref<8x256x1024xbf16, #tpu.memory_space<vmem>>, vector<1x256x1024xbf16>
    %get3A_496 = vector.shape_cast %get3A_495 : vector<1x256x1024xbf16> to vector<256x1024xbf16>
    %dot_general3A_497 = arith.constant dense<0.000000e+00> : vector<512x1024xf32>
    %dot_general3A_498 = tpu.matmul %sub3A_410, %get3A_496, %dot_general3A_497 {dimension_numbers = #tpu.dot_dimension_numbers<[1], [0], [0], [1], [0, 0, 1, 1], [], []>, transpose_lhs_hint = false} : vector<512x256xf32>, vector<256x1024xbf16>, vector<512x1024xf32> -> vector<512x1024xf32>
    %mul3A_499 = arith.constant 2.000000e+00 : f32
    %mul3A_500 = vector.broadcast %mul3A_499 : f32 to vector<512x1024xf32>
    %mul3A_501 = arith.mulf %mul3A_500, %dot_general3A_498 : vector<512x1024xf32>
    %sub3A_502 = vector.broadcast %broadcast_in_dim3A_491 : vector<512x1xf32> to vector<512x1024xf32>
    %sub3A_503 = arith.subf %sub3A_502, %mul3A_501 : vector<512x1024xf32>
    %get3A_504 = arith.constant 3 : index
    %get3A_505 = arith.constant 0 : index
    %get3A_506 = vector.load %arg6[%get3A_504, %get3A_505] : memref<8x1024xf32, #tpu.memory_space<vmem>>, vector<1x1024xf32>
    %get3A_507 = vector.shape_cast %get3A_506 : vector<1x1024xf32> to vector<1024xf32>
    %broadcast_in_dim3A_508 = vector.shape_cast %get3A_507 : vector<1024xf32> to vector<1x1024xf32>
    %add3A_509 = vector.broadcast %broadcast_in_dim3A_508 : vector<1x1024xf32> to vector<512x1024xf32>
    %add3A_510 = arith.addf %sub3A_503, %add3A_509 : vector<512x1024xf32>
    %reduce_min3A_511 = arith.constant dense<0x7F800000> : vector<512xf32>
    %reduce_min3A_512 = vector.multi_reduction <minimumf>, %add3A_510, %reduce_min3A_511 [1] : vector<512x1024xf32> to vector<512xf32>
    %broadcast_in_dim3A_513 = vector.shape_cast %reduce_min3A_512 : vector<512xf32> to vector<512x1xf32>
    %eq3A_514 = vector.broadcast %broadcast_in_dim3A_513 : vector<512x1xf32> to vector<512x1024xf32>
    %eq3A_515 = arith.cmpf oeq, %add3A_510, %eq3A_514 : vector<512x1024xf32>
    %jit3A_516 = arith.constant 1.024000e+03 : f32
    %broadcast_in_dim3A_517 = vector.broadcast %jit3A_516 : f32 to vector<512x1024xf32>
    %select_n3A_518 = arith.select %eq3A_515, %convert_element_type3A, %broadcast_in_dim3A_517 : vector<512x1024xi1>, vector<512x1024xf32>
    %reduce_min3A_519 = arith.constant dense<0x7F800000> : vector<512xf32>
    %reduce_min3A_520 = vector.multi_reduction <minimumf>, %select_n3A_518, %reduce_min3A_519 [1] : vector<512x1024xf32> to vector<512xf32>
    %broadcast_in_dim3A_521 = vector.shape_cast %reduce_min3A_520 : vector<512xf32> to vector<512x1xf32>
    %eq3A_522 = vector.broadcast %broadcast_in_dim3A_521 : vector<512x1xf32> to vector<512x1024xf32>
    %eq3A_523 = arith.cmpf oeq, %convert_element_type3A, %eq3A_522 : vector<512x1024xf32>
    %convert_element_type3A_524 = arith.extui %eq3A_523 : vector<512x1024xi1> to vector<512x1024xi32>
    %convert_element_type3A_525 = arith.sitofp %convert_element_type3A_524 : vector<512x1024xi32> to vector<512x1024xf32>
    %convert_element_type3A_526 = arith.truncf %convert_element_type3A_525 : vector<512x1024xf32> to vector<512x1024xbf16>
    %get3A_527 = arith.constant 3 : index
    %get3A_528 = arith.constant 0 : index
    %get3A_529 = arith.constant 0 : index
    %get3A_530 = vector.load %arg3[%get3A_527, %get3A_528, %get3A_529] : memref<8x1024x256xbf16, #tpu.memory_space<vmem>>, vector<1x1024x256xbf16>
    %get3A_531 = vector.shape_cast %get3A_530 : vector<1x1024x256xbf16> to vector<1024x256xbf16>
    %dot_general3A_532 = arith.constant dense<0.000000e+00> : vector<512x256xf32>
    %dot_general3A_533 = tpu.matmul %convert_element_type3A_526, %get3A_531, %dot_general3A_532 {dimension_numbers = #tpu.dot_dimension_numbers<[1], [0], [0], [1], [0, 0, 1, 1], [], []>, transpose_lhs_hint = false} : vector<512x1024xbf16>, vector<1024x256xbf16>, vector<512x256xf32> -> vector<512x256xf32>
    %get3A_534 = arith.constant 3 : index
    %get3A_535 = arith.constant 0 : index
    %get3A_536 = arith.constant 0 : index
    %get3A_537 = vector.load %arg4[%get3A_534, %get3A_535, %get3A_536] : memref<8x1024x256xbf16, #tpu.memory_space<vmem>>, vector<1x1024x256xbf16>
    %get3A_538 = vector.shape_cast %get3A_537 : vector<1x1024x256xbf16> to vector<1024x256xbf16>
    %dot_general3A_539 = arith.constant dense<0.000000e+00> : vector<512x256xf32>
    %dot_general3A_540 = tpu.matmul %convert_element_type3A_526, %get3A_538, %dot_general3A_539 {dimension_numbers = #tpu.dot_dimension_numbers<[1], [0], [0], [1], [0, 0, 1, 1], [], []>, transpose_lhs_hint = false} : vector<512x1024xbf16>, vector<1024x256xbf16>, vector<512x256xf32> -> vector<512x256xf32>
    %add3A_541 = arith.addf %dot_general3A_533, %dot_general3A_540 : vector<512x256xf32>
    %get3A_542 = arith.constant 3 : index
    %get3A_543 = arith.constant 0 : index
    %get3A_544 = arith.constant 0 : index
    %get3A_545 = vector.load %arg5[%get3A_542, %get3A_543, %get3A_544] : memref<8x1024x256xbf16, #tpu.memory_space<vmem>>, vector<1x1024x256xbf16>
    %get3A_546 = vector.shape_cast %get3A_545 : vector<1x1024x256xbf16> to vector<1024x256xbf16>
    %dot_general3A_547 = arith.constant dense<0.000000e+00> : vector<512x256xf32>
    %dot_general3A_548 = tpu.matmul %convert_element_type3A_526, %get3A_546, %dot_general3A_547 {dimension_numbers = #tpu.dot_dimension_numbers<[1], [0], [0], [1], [0, 0, 1, 1], [], []>, transpose_lhs_hint = false} : vector<512x1024xbf16>, vector<1024x256xbf16>, vector<512x256xf32> -> vector<512x256xf32>
    %add3A_549 = arith.addf %add3A_541, %dot_general3A_548 : vector<512x256xf32>
    %sub3A_550 = arith.subf %sub3A_410, %add3A_549 : vector<512x256xf32>
    %add3A_551 = arith.addf %add3A_411, %add3A_549 : vector<512x256xf32>
    %convert_element_type3A_552 = arith.fptosi %reduce_min3A_520 : vector<512xf32> to vector<512xi32>
    %swap3A_553 = arith.constant 512 : index
    %swap3A_554 = arith.constant 3 : index
    %swap3A_555 = vector.load %arg8[%swap3A_553, %swap3A_554] : memref<1024x8xi32, #tpu.memory_space<vmem>>, vector<512x1xi32>
    %swap3A_556 = vector.shape_cast %swap3A_555 : vector<512x1xi32> to vector<512xi32>
    %swap3A_557 = vector.shape_cast %convert_element_type3A_552 : vector<512xi32> to vector<512x1xi32>
    tpu.vector_store %arg8[%swap3A_553, %swap3A_554], %swap3A_557 {strides = array<i32>} : memref<1024x8xi32, #tpu.memory_space<vmem>>, vector<512x1xi32>,
    %mul3A_558 = arith.mulf %sub3A_480, %sub3A_480 : vector<512x256xf32>
    %reduce_sum3A_559 = arith.constant dense<0.000000e+00> : vector<512xf32>
    %reduce_sum3A_560 = vector.multi_reduction <add>, %mul3A_558, %reduce_sum3A_559 [1] : vector<512x256xf32> to vector<512xf32>
    %broadcast_in_dim3A_561 = vector.shape_cast %reduce_sum3A_560 : vector<512xf32> to vector<512x1xf32>
    %get3A_562 = arith.constant 4 : index
    %get3A_563 = arith.constant 0 : index
    %get3A_564 = arith.constant 0 : index
    %get3A_565 = vector.load %arg2[%get3A_562, %get3A_563, %get3A_564] : memref<8x256x1024xbf16, #tpu.memory_space<vmem>>, vector<1x256x1024xbf16>
    %get3A_566 = vector.shape_cast %get3A_565 : vector<1x256x1024xbf16> to vector<256x1024xbf16>
    %dot_general3A_567 = arith.constant dense<0.000000e+00> : vector<512x1024xf32>
    %dot_general3A_568 = tpu.matmul %sub3A_480, %get3A_566, %dot_general3A_567 {dimension_numbers = #tpu.dot_dimension_numbers<[1], [0], [0], [1], [0, 0, 1, 1], [], []>, transpose_lhs_hint = false} : vector<512x256xf32>, vector<256x1024xbf16>, vector<512x1024xf32> -> vector<512x1024xf32>
    %mul3A_569 = arith.constant 2.000000e+00 : f32
    %mul3A_570 = vector.broadcast %mul3A_569 : f32 to vector<512x1024xf32>
    %mul3A_571 = arith.mulf %mul3A_570, %dot_general3A_568 : vector<512x1024xf32>
    %sub3A_572 = vector.broadcast %broadcast_in_dim3A_561 : vector<512x1xf32> to vector<512x1024xf32>
    %sub3A_573 = arith.subf %sub3A_572, %mul3A_571 : vector<512x1024xf32>
    %get3A_574 = arith.constant 4 : index
    %get3A_575 = arith.constant 0 : index
    %get3A_576 = vector.load %arg6[%get3A_574, %get3A_575] : memref<8x1024xf32, #tpu.memory_space<vmem>>, vector<1x1024xf32>
    %get3A_577 = vector.shape_cast %get3A_576 : vector<1x1024xf32> to vector<1024xf32>
    %broadcast_in_dim3A_578 = vector.shape_cast %get3A_577 : vector<1024xf32> to vector<1x1024xf32>
    %add3A_579 = vector.broadcast %broadcast_in_dim3A_578 : vector<1x1024xf32> to vector<512x1024xf32>
    %add3A_580 = arith.addf %sub3A_573, %add3A_579 : vector<512x1024xf32>
    %reduce_min3A_581 = arith.constant dense<0x7F800000> : vector<512xf32>
    %reduce_min3A_582 = vector.multi_reduction <minimumf>, %add3A_580, %reduce_min3A_581 [1] : vector<512x1024xf32> to vector<512xf32>
    %broadcast_in_dim3A_583 = vector.shape_cast %reduce_min3A_582 : vector<512xf32> to vector<512x1xf32>
    %eq3A_584 = vector.broadcast %broadcast_in_dim3A_583 : vector<512x1xf32> to vector<512x1024xf32>
    %eq3A_585 = arith.cmpf oeq, %add3A_580, %eq3A_584 : vector<512x1024xf32>
    %jit3A_586 = arith.constant 1.024000e+03 : f32
    %broadcast_in_dim3A_587 = vector.broadcast %jit3A_586 : f32 to vector<512x1024xf32>
    %select_n3A_588 = arith.select %eq3A_585, %convert_element_type3A, %broadcast_in_dim3A_587 : vector<512x1024xi1>, vector<512x1024xf32>
    %reduce_min3A_589 = arith.constant dense<0x7F800000> : vector<512xf32>
    %reduce_min3A_590 = vector.multi_reduction <minimumf>, %select_n3A_588, %reduce_min3A_589 [1] : vector<512x1024xf32> to vector<512xf32>
    %broadcast_in_dim3A_591 = vector.shape_cast %reduce_min3A_590 : vector<512xf32> to vector<512x1xf32>
    %eq3A_592 = vector.broadcast %broadcast_in_dim3A_591 : vector<512x1xf32> to vector<512x1024xf32>
    %eq3A_593 = arith.cmpf oeq, %convert_element_type3A, %eq3A_592 : vector<512x1024xf32>
    %convert_element_type3A_594 = arith.extui %eq3A_593 : vector<512x1024xi1> to vector<512x1024xi32>
    %convert_element_type3A_595 = arith.sitofp %convert_element_type3A_594 : vector<512x1024xi32> to vector<512x1024xf32>
    %convert_element_type3A_596 = arith.truncf %convert_element_type3A_595 : vector<512x1024xf32> to vector<512x1024xbf16>
    %get3A_597 = arith.constant 4 : index
    %get3A_598 = arith.constant 0 : index
    %get3A_599 = arith.constant 0 : index
    %get3A_600 = vector.load %arg3[%get3A_597, %get3A_598, %get3A_599] : memref<8x1024x256xbf16, #tpu.memory_space<vmem>>, vector<1x1024x256xbf16>
    %get3A_601 = vector.shape_cast %get3A_600 : vector<1x1024x256xbf16> to vector<1024x256xbf16>
    %dot_general3A_602 = arith.constant dense<0.000000e+00> : vector<512x256xf32>
    %dot_general3A_603 = tpu.matmul %convert_element_type3A_596, %get3A_601, %dot_general3A_602 {dimension_numbers = #tpu.dot_dimension_numbers<[1], [0], [0], [1], [0, 0, 1, 1], [], []>, transpose_lhs_hint = false} : vector<512x1024xbf16>, vector<1024x256xbf16>, vector<512x256xf32> -> vector<512x256xf32>
    %get3A_604 = arith.constant 4 : index
    %get3A_605 = arith.constant 0 : index
    %get3A_606 = arith.constant 0 : index
    %get3A_607 = vector.load %arg4[%get3A_604, %get3A_605, %get3A_606] : memref<8x1024x256xbf16, #tpu.memory_space<vmem>>, vector<1x1024x256xbf16>
    %get3A_608 = vector.shape_cast %get3A_607 : vector<1x1024x256xbf16> to vector<1024x256xbf16>
    %dot_general3A_609 = arith.constant dense<0.000000e+00> : vector<512x256xf32>
    %dot_general3A_610 = tpu.matmul %convert_element_type3A_596, %get3A_608, %dot_general3A_609 {dimension_numbers = #tpu.dot_dimension_numbers<[1], [0], [0], [1], [0, 0, 1, 1], [], []>, transpose_lhs_hint = false} : vector<512x1024xbf16>, vector<1024x256xbf16>, vector<512x256xf32> -> vector<512x256xf32>
    %add3A_611 = arith.addf %dot_general3A_603, %dot_general3A_610 : vector<512x256xf32>
    %get3A_612 = arith.constant 4 : index
    %get3A_613 = arith.constant 0 : index
    %get3A_614 = arith.constant 0 : index
    %get3A_615 = vector.load %arg5[%get3A_612, %get3A_613, %get3A_614] : memref<8x1024x256xbf16, #tpu.memory_space<vmem>>, vector<1x1024x256xbf16>
    %get3A_616 = vector.shape_cast %get3A_615 : vector<1x1024x256xbf16> to vector<1024x256xbf16>
    %dot_general3A_617 = arith.constant dense<0.000000e+00> : vector<512x256xf32>
    %dot_general3A_618 = tpu.matmul %convert_element_type3A_596, %get3A_616, %dot_general3A_617 {dimension_numbers = #tpu.dot_dimension_numbers<[1], [0], [0], [1], [0, 0, 1, 1], [], []>, transpose_lhs_hint = false} : vector<512x1024xbf16>, vector<1024x256xbf16>, vector<512x256xf32> -> vector<512x256xf32>
    %add3A_619 = arith.addf %add3A_611, %dot_general3A_618 : vector<512x256xf32>
    %sub3A_620 = arith.subf %sub3A_480, %add3A_619 : vector<512x256xf32>
    %add3A_621 = arith.addf %add3A_481, %add3A_619 : vector<512x256xf32>
    %convert_element_type3A_622 = arith.fptosi %reduce_min3A_590 : vector<512xf32> to vector<512xi32>
    %swap3A_623 = arith.constant 0 : index
    %swap3A_624 = arith.constant 4 : index
    %swap3A_625 = vector.load %arg8[%swap3A_623, %swap3A_624] : memref<1024x8xi32, #tpu.memory_space<vmem>>, vector<512x1xi32>
    %swap3A_626 = vector.shape_cast %swap3A_625 : vector<512x1xi32> to vector<512xi32>
    %swap3A_627 = vector.shape_cast %convert_element_type3A_622 : vector<512xi32> to vector<512x1xi32>
    tpu.vector_store %arg8[%swap3A_623, %swap3A_624], %swap3A_627 {strides = array<i32>} : memref<1024x8xi32, #tpu.memory_space<vmem>>, vector<512x1xi32>,
    %mul3A_628 = arith.mulf %sub3A_550, %sub3A_550 : vector<512x256xf32>
    %reduce_sum3A_629 = arith.constant dense<0.000000e+00> : vector<512xf32>
    %reduce_sum3A_630 = vector.multi_reduction <add>, %mul3A_628, %reduce_sum3A_629 [1] : vector<512x256xf32> to vector<512xf32>
    %broadcast_in_dim3A_631 = vector.shape_cast %reduce_sum3A_630 : vector<512xf32> to vector<512x1xf32>
    %get3A_632 = arith.constant 4 : index
    %get3A_633 = arith.constant 0 : index
    %get3A_634 = arith.constant 0 : index
    %get3A_635 = vector.load %arg2[%get3A_632, %get3A_633, %get3A_634] : memref<8x256x1024xbf16, #tpu.memory_space<vmem>>, vector<1x256x1024xbf16>
    %get3A_636 = vector.shape_cast %get3A_635 : vector<1x256x1024xbf16> to vector<256x1024xbf16>
    %dot_general3A_637 = arith.constant dense<0.000000e+00> : vector<512x1024xf32>
    %dot_general3A_638 = tpu.matmul %sub3A_550, %get3A_636, %dot_general3A_637 {dimension_numbers = #tpu.dot_dimension_numbers<[1], [0], [0], [1], [0, 0, 1, 1], [], []>, transpose_lhs_hint = false} : vector<512x256xf32>, vector<256x1024xbf16>, vector<512x1024xf32> -> vector<512x1024xf32>
    %mul3A_639 = arith.constant 2.000000e+00 : f32
    %mul3A_640 = vector.broadcast %mul3A_639 : f32 to vector<512x1024xf32>
    %mul3A_641 = arith.mulf %mul3A_640, %dot_general3A_638 : vector<512x1024xf32>
    %sub3A_642 = vector.broadcast %broadcast_in_dim3A_631 : vector<512x1xf32> to vector<512x1024xf32>
    %sub3A_643 = arith.subf %sub3A_642, %mul3A_641 : vector<512x1024xf32>
    %get3A_644 = arith.constant 4 : index
    %get3A_645 = arith.constant 0 : index
    %get3A_646 = vector.load %arg6[%get3A_644, %get3A_645] : memref<8x1024xf32, #tpu.memory_space<vmem>>, vector<1x1024xf32>
    %get3A_647 = vector.shape_cast %get3A_646 : vector<1x1024xf32> to vector<1024xf32>
    %broadcast_in_dim3A_648 = vector.shape_cast %get3A_647 : vector<1024xf32> to vector<1x1024xf32>
    %add3A_649 = vector.broadcast %broadcast_in_dim3A_648 : vector<1x1024xf32> to vector<512x1024xf32>
    %add3A_650 = arith.addf %sub3A_643, %add3A_649 : vector<512x1024xf32>
    %reduce_min3A_651 = arith.constant dense<0x7F800000> : vector<512xf32>
    %reduce_min3A_652 = vector.multi_reduction <minimumf>, %add3A_650, %reduce_min3A_651 [1] : vector<512x1024xf32> to vector<512xf32>
    %broadcast_in_dim3A_653 = vector.shape_cast %reduce_min3A_652 : vector<512xf32> to vector<512x1xf32>
    %eq3A_654 = vector.broadcast %broadcast_in_dim3A_653 : vector<512x1xf32> to vector<512x1024xf32>
    %eq3A_655 = arith.cmpf oeq, %add3A_650, %eq3A_654 : vector<512x1024xf32>
    %jit3A_656 = arith.constant 1.024000e+03 : f32
    %broadcast_in_dim3A_657 = vector.broadcast %jit3A_656 : f32 to vector<512x1024xf32>
    %select_n3A_658 = arith.select %eq3A_655, %convert_element_type3A, %broadcast_in_dim3A_657 : vector<512x1024xi1>, vector<512x1024xf32>
    %reduce_min3A_659 = arith.constant dense<0x7F800000> : vector<512xf32>
    %reduce_min3A_660 = vector.multi_reduction <minimumf>, %select_n3A_658, %reduce_min3A_659 [1] : vector<512x1024xf32> to vector<512xf32>
    %broadcast_in_dim3A_661 = vector.shape_cast %reduce_min3A_660 : vector<512xf32> to vector<512x1xf32>
    %eq3A_662 = vector.broadcast %broadcast_in_dim3A_661 : vector<512x1xf32> to vector<512x1024xf32>
    %eq3A_663 = arith.cmpf oeq, %convert_element_type3A, %eq3A_662 : vector<512x1024xf32>
    %convert_element_type3A_664 = arith.extui %eq3A_663 : vector<512x1024xi1> to vector<512x1024xi32>
    %convert_element_type3A_665 = arith.sitofp %convert_element_type3A_664 : vector<512x1024xi32> to vector<512x1024xf32>
    %convert_element_type3A_666 = arith.truncf %convert_element_type3A_665 : vector<512x1024xf32> to vector<512x1024xbf16>
    %get3A_667 = arith.constant 4 : index
    %get3A_668 = arith.constant 0 : index
    %get3A_669 = arith.constant 0 : index
    %get3A_670 = vector.load %arg3[%get3A_667, %get3A_668, %get3A_669] : memref<8x1024x256xbf16, #tpu.memory_space<vmem>>, vector<1x1024x256xbf16>
    %get3A_671 = vector.shape_cast %get3A_670 : vector<1x1024x256xbf16> to vector<1024x256xbf16>
    %dot_general3A_672 = arith.constant dense<0.000000e+00> : vector<512x256xf32>
    %dot_general3A_673 = tpu.matmul %convert_element_type3A_666, %get3A_671, %dot_general3A_672 {dimension_numbers = #tpu.dot_dimension_numbers<[1], [0], [0], [1], [0, 0, 1, 1], [], []>, transpose_lhs_hint = false} : vector<512x1024xbf16>, vector<1024x256xbf16>, vector<512x256xf32> -> vector<512x256xf32>
    %get3A_674 = arith.constant 4 : index
    %get3A_675 = arith.constant 0 : index
    %get3A_676 = arith.constant 0 : index
    %get3A_677 = vector.load %arg4[%get3A_674, %get3A_675, %get3A_676] : memref<8x1024x256xbf16, #tpu.memory_space<vmem>>, vector<1x1024x256xbf16>
    %get3A_678 = vector.shape_cast %get3A_677 : vector<1x1024x256xbf16> to vector<1024x256xbf16>
    %dot_general3A_679 = arith.constant dense<0.000000e+00> : vector<512x256xf32>
    %dot_general3A_680 = tpu.matmul %convert_element_type3A_666, %get3A_678, %dot_general3A_679 {dimension_numbers = #tpu.dot_dimension_numbers<[1], [0], [0], [1], [0, 0, 1, 1], [], []>, transpose_lhs_hint = false} : vector<512x1024xbf16>, vector<1024x256xbf16>, vector<512x256xf32> -> vector<512x256xf32>
    %add3A_681 = arith.addf %dot_general3A_673, %dot_general3A_680 : vector<512x256xf32>
    %get3A_682 = arith.constant 4 : index
    %get3A_683 = arith.constant 0 : index
    %get3A_684 = arith.constant 0 : index
    %get3A_685 = vector.load %arg5[%get3A_682, %get3A_683, %get3A_684] : memref<8x1024x256xbf16, #tpu.memory_space<vmem>>, vector<1x1024x256xbf16>
    %get3A_686 = vector.shape_cast %get3A_685 : vector<1x1024x256xbf16> to vector<1024x256xbf16>
    %dot_general3A_687 = arith.constant dense<0.000000e+00> : vector<512x256xf32>
    %dot_general3A_688 = tpu.matmul %convert_element_type3A_666, %get3A_686, %dot_general3A_687 {dimension_numbers = #tpu.dot_dimension_numbers<[1], [0], [0], [1], [0, 0, 1, 1], [], []>, transpose_lhs_hint = false} : vector<512x1024xbf16>, vector<1024x256xbf16>, vector<512x256xf32> -> vector<512x256xf32>
    %add3A_689 = arith.addf %add3A_681, %dot_general3A_688 : vector<512x256xf32>
    %sub3A_690 = arith.subf %sub3A_550, %add3A_689 : vector<512x256xf32>
    %add3A_691 = arith.addf %add3A_551, %add3A_689 : vector<512x256xf32>
    %convert_element_type3A_692 = arith.fptosi %reduce_min3A_660 : vector<512xf32> to vector<512xi32>
    %swap3A_693 = arith.constant 512 : index
    %swap3A_694 = arith.constant 4 : index
    %swap3A_695 = vector.load %arg8[%swap3A_693, %swap3A_694] : memref<1024x8xi32, #tpu.memory_space<vmem>>, vector<512x1xi32>
    %swap3A_696 = vector.shape_cast %swap3A_695 : vector<512x1xi32> to vector<512xi32>
    %swap3A_697 = vector.shape_cast %convert_element_type3A_692 : vector<512xi32> to vector<512x1xi32>
    tpu.vector_store %arg8[%swap3A_693, %swap3A_694], %swap3A_697 {strides = array<i32>} : memref<1024x8xi32, #tpu.memory_space<vmem>>, vector<512x1xi32>,
    %mul3A_698 = arith.mulf %sub3A_620, %sub3A_620 : vector<512x256xf32>
    %reduce_sum3A_699 = arith.constant dense<0.000000e+00> : vector<512xf32>
    %reduce_sum3A_700 = vector.multi_reduction <add>, %mul3A_698, %reduce_sum3A_699 [1] : vector<512x256xf32> to vector<512xf32>
    %broadcast_in_dim3A_701 = vector.shape_cast %reduce_sum3A_700 : vector<512xf32> to vector<512x1xf32>
    %get3A_702 = arith.constant 5 : index
    %get3A_703 = arith.constant 0 : index
    %get3A_704 = arith.constant 0 : index
    %get3A_705 = vector.load %arg2[%get3A_702, %get3A_703, %get3A_704] : memref<8x256x1024xbf16, #tpu.memory_space<vmem>>, vector<1x256x1024xbf16>
    %get3A_706 = vector.shape_cast %get3A_705 : vector<1x256x1024xbf16> to vector<256x1024xbf16>
    %dot_general3A_707 = arith.constant dense<0.000000e+00> : vector<512x1024xf32>
    %dot_general3A_708 = tpu.matmul %sub3A_620, %get3A_706, %dot_general3A_707 {dimension_numbers = #tpu.dot_dimension_numbers<[1], [0], [0], [1], [0, 0, 1, 1], [], []>, transpose_lhs_hint = false} : vector<512x256xf32>, vector<256x1024xbf16>, vector<512x1024xf32> -> vector<512x1024xf32>
    %mul3A_709 = arith.constant 2.000000e+00 : f32
    %mul3A_710 = vector.broadcast %mul3A_709 : f32 to vector<512x1024xf32>
    %mul3A_711 = arith.mulf %mul3A_710, %dot_general3A_708 : vector<512x1024xf32>
    %sub3A_712 = vector.broadcast %broadcast_in_dim3A_701 : vector<512x1xf32> to vector<512x1024xf32>
    %sub3A_713 = arith.subf %sub3A_712, %mul3A_711 : vector<512x1024xf32>
    %get3A_714 = arith.constant 5 : index
    %get3A_715 = arith.constant 0 : index
    %get3A_716 = vector.load %arg6[%get3A_714, %get3A_715] : memref<8x1024xf32, #tpu.memory_space<vmem>>, vector<1x1024xf32>
    %get3A_717 = vector.shape_cast %get3A_716 : vector<1x1024xf32> to vector<1024xf32>
    %broadcast_in_dim3A_718 = vector.shape_cast %get3A_717 : vector<1024xf32> to vector<1x1024xf32>
    %add3A_719 = vector.broadcast %broadcast_in_dim3A_718 : vector<1x1024xf32> to vector<512x1024xf32>
    %add3A_720 = arith.addf %sub3A_713, %add3A_719 : vector<512x1024xf32>
    %reduce_min3A_721 = arith.constant dense<0x7F800000> : vector<512xf32>
    %reduce_min3A_722 = vector.multi_reduction <minimumf>, %add3A_720, %reduce_min3A_721 [1] : vector<512x1024xf32> to vector<512xf32>
    %broadcast_in_dim3A_723 = vector.shape_cast %reduce_min3A_722 : vector<512xf32> to vector<512x1xf32>
    %eq3A_724 = vector.broadcast %broadcast_in_dim3A_723 : vector<512x1xf32> to vector<512x1024xf32>
    %eq3A_725 = arith.cmpf oeq, %add3A_720, %eq3A_724 : vector<512x1024xf32>
    %jit3A_726 = arith.constant 1.024000e+03 : f32
    %broadcast_in_dim3A_727 = vector.broadcast %jit3A_726 : f32 to vector<512x1024xf32>
    %select_n3A_728 = arith.select %eq3A_725, %convert_element_type3A, %broadcast_in_dim3A_727 : vector<512x1024xi1>, vector<512x1024xf32>
    %reduce_min3A_729 = arith.constant dense<0x7F800000> : vector<512xf32>
    %reduce_min3A_730 = vector.multi_reduction <minimumf>, %select_n3A_728, %reduce_min3A_729 [1] : vector<512x1024xf32> to vector<512xf32>
    %broadcast_in_dim3A_731 = vector.shape_cast %reduce_min3A_730 : vector<512xf32> to vector<512x1xf32>
    %eq3A_732 = vector.broadcast %broadcast_in_dim3A_731 : vector<512x1xf32> to vector<512x1024xf32>
    %eq3A_733 = arith.cmpf oeq, %convert_element_type3A, %eq3A_732 : vector<512x1024xf32>
    %convert_element_type3A_734 = arith.extui %eq3A_733 : vector<512x1024xi1> to vector<512x1024xi32>
    %convert_element_type3A_735 = arith.sitofp %convert_element_type3A_734 : vector<512x1024xi32> to vector<512x1024xf32>
    %convert_element_type3A_736 = arith.truncf %convert_element_type3A_735 : vector<512x1024xf32> to vector<512x1024xbf16>
    %get3A_737 = arith.constant 5 : index
    %get3A_738 = arith.constant 0 : index
    %get3A_739 = arith.constant 0 : index
    %get3A_740 = vector.load %arg3[%get3A_737, %get3A_738, %get3A_739] : memref<8x1024x256xbf16, #tpu.memory_space<vmem>>, vector<1x1024x256xbf16>
    %get3A_741 = vector.shape_cast %get3A_740 : vector<1x1024x256xbf16> to vector<1024x256xbf16>
    %dot_general3A_742 = arith.constant dense<0.000000e+00> : vector<512x256xf32>
    %dot_general3A_743 = tpu.matmul %convert_element_type3A_736, %get3A_741, %dot_general3A_742 {dimension_numbers = #tpu.dot_dimension_numbers<[1], [0], [0], [1], [0, 0, 1, 1], [], []>, transpose_lhs_hint = false} : vector<512x1024xbf16>, vector<1024x256xbf16>, vector<512x256xf32> -> vector<512x256xf32>
    %get3A_744 = arith.constant 5 : index
    %get3A_745 = arith.constant 0 : index
    %get3A_746 = arith.constant 0 : index
    %get3A_747 = vector.load %arg4[%get3A_744, %get3A_745, %get3A_746] : memref<8x1024x256xbf16, #tpu.memory_space<vmem>>, vector<1x1024x256xbf16>
    %get3A_748 = vector.shape_cast %get3A_747 : vector<1x1024x256xbf16> to vector<1024x256xbf16>
    %dot_general3A_749 = arith.constant dense<0.000000e+00> : vector<512x256xf32>
    %dot_general3A_750 = tpu.matmul %convert_element_type3A_736, %get3A_748, %dot_general3A_749 {dimension_numbers = #tpu.dot_dimension_numbers<[1], [0], [0], [1], [0, 0, 1, 1], [], []>, transpose_lhs_hint = false} : vector<512x1024xbf16>, vector<1024x256xbf16>, vector<512x256xf32> -> vector<512x256xf32>
    %add3A_751 = arith.addf %dot_general3A_743, %dot_general3A_750 : vector<512x256xf32>
    %get3A_752 = arith.constant 5 : index
    %get3A_753 = arith.constant 0 : index
    %get3A_754 = arith.constant 0 : index
    %get3A_755 = vector.load %arg5[%get3A_752, %get3A_753, %get3A_754] : memref<8x1024x256xbf16, #tpu.memory_space<vmem>>, vector<1x1024x256xbf16>
    %get3A_756 = vector.shape_cast %get3A_755 : vector<1x1024x256xbf16> to vector<1024x256xbf16>
    %dot_general3A_757 = arith.constant dense<0.000000e+00> : vector<512x256xf32>
    %dot_general3A_758 = tpu.matmul %convert_element_type3A_736, %get3A_756, %dot_general3A_757 {dimension_numbers = #tpu.dot_dimension_numbers<[1], [0], [0], [1], [0, 0, 1, 1], [], []>, transpose_lhs_hint = false} : vector<512x1024xbf16>, vector<1024x256xbf16>, vector<512x256xf32> -> vector<512x256xf32>
    %add3A_759 = arith.addf %add3A_751, %dot_general3A_758 : vector<512x256xf32>
    %sub3A_760 = arith.subf %sub3A_620, %add3A_759 : vector<512x256xf32>
    %add3A_761 = arith.addf %add3A_621, %add3A_759 : vector<512x256xf32>
    %convert_element_type3A_762 = arith.fptosi %reduce_min3A_730 : vector<512xf32> to vector<512xi32>
    %swap3A_763 = arith.constant 0 : index
    %swap3A_764 = arith.constant 5 : index
    %swap3A_765 = vector.load %arg8[%swap3A_763, %swap3A_764] : memref<1024x8xi32, #tpu.memory_space<vmem>>, vector<512x1xi32>
    %swap3A_766 = vector.shape_cast %swap3A_765 : vector<512x1xi32> to vector<512xi32>
    %swap3A_767 = vector.shape_cast %convert_element_type3A_762 : vector<512xi32> to vector<512x1xi32>
    tpu.vector_store %arg8[%swap3A_763, %swap3A_764], %swap3A_767 {strides = array<i32>} : memref<1024x8xi32, #tpu.memory_space<vmem>>, vector<512x1xi32>,
    %mul3A_768 = arith.mulf %sub3A_690, %sub3A_690 : vector<512x256xf32>
    %reduce_sum3A_769 = arith.constant dense<0.000000e+00> : vector<512xf32>
    %reduce_sum3A_770 = vector.multi_reduction <add>, %mul3A_768, %reduce_sum3A_769 [1] : vector<512x256xf32> to vector<512xf32>
    %broadcast_in_dim3A_771 = vector.shape_cast %reduce_sum3A_770 : vector<512xf32> to vector<512x1xf32>
    %get3A_772 = arith.constant 5 : index
    %get3A_773 = arith.constant 0 : index
    %get3A_774 = arith.constant 0 : index
    %get3A_775 = vector.load %arg2[%get3A_772, %get3A_773, %get3A_774] : memref<8x256x1024xbf16, #tpu.memory_space<vmem>>, vector<1x256x1024xbf16>
    %get3A_776 = vector.shape_cast %get3A_775 : vector<1x256x1024xbf16> to vector<256x1024xbf16>
    %dot_general3A_777 = arith.constant dense<0.000000e+00> : vector<512x1024xf32>
    %dot_general3A_778 = tpu.matmul %sub3A_690, %get3A_776, %dot_general3A_777 {dimension_numbers = #tpu.dot_dimension_numbers<[1], [0], [0], [1], [0, 0, 1, 1], [], []>, transpose_lhs_hint = false} : vector<512x256xf32>, vector<256x1024xbf16>, vector<512x1024xf32> -> vector<512x1024xf32>
    %mul3A_779 = arith.constant 2.000000e+00 : f32
    %mul3A_780 = vector.broadcast %mul3A_779 : f32 to vector<512x1024xf32>
    %mul3A_781 = arith.mulf %mul3A_780, %dot_general3A_778 : vector<512x1024xf32>
    %sub3A_782 = vector.broadcast %broadcast_in_dim3A_771 : vector<512x1xf32> to vector<512x1024xf32>
    %sub3A_783 = arith.subf %sub3A_782, %mul3A_781 : vector<512x1024xf32>
    %get3A_784 = arith.constant 5 : index
    %get3A_785 = arith.constant 0 : index
    %get3A_786 = vector.load %arg6[%get3A_784, %get3A_785] : memref<8x1024xf32, #tpu.memory_space<vmem>>, vector<1x1024xf32>
    %get3A_787 = vector.shape_cast %get3A_786 : vector<1x1024xf32> to vector<1024xf32>
    %broadcast_in_dim3A_788 = vector.shape_cast %get3A_787 : vector<1024xf32> to vector<1x1024xf32>
    %add3A_789 = vector.broadcast %broadcast_in_dim3A_788 : vector<1x1024xf32> to vector<512x1024xf32>
    %add3A_790 = arith.addf %sub3A_783, %add3A_789 : vector<512x1024xf32>
    %reduce_min3A_791 = arith.constant dense<0x7F800000> : vector<512xf32>
    %reduce_min3A_792 = vector.multi_reduction <minimumf>, %add3A_790, %reduce_min3A_791 [1] : vector<512x1024xf32> to vector<512xf32>
    %broadcast_in_dim3A_793 = vector.shape_cast %reduce_min3A_792 : vector<512xf32> to vector<512x1xf32>
    %eq3A_794 = vector.broadcast %broadcast_in_dim3A_793 : vector<512x1xf32> to vector<512x1024xf32>
    %eq3A_795 = arith.cmpf oeq, %add3A_790, %eq3A_794 : vector<512x1024xf32>
    %jit3A_796 = arith.constant 1.024000e+03 : f32
    %broadcast_in_dim3A_797 = vector.broadcast %jit3A_796 : f32 to vector<512x1024xf32>
    %select_n3A_798 = arith.select %eq3A_795, %convert_element_type3A, %broadcast_in_dim3A_797 : vector<512x1024xi1>, vector<512x1024xf32>
    %reduce_min3A_799 = arith.constant dense<0x7F800000> : vector<512xf32>
    %reduce_min3A_800 = vector.multi_reduction <minimumf>, %select_n3A_798, %reduce_min3A_799 [1] : vector<512x1024xf32> to vector<512xf32>
    %broadcast_in_dim3A_801 = vector.shape_cast %reduce_min3A_800 : vector<512xf32> to vector<512x1xf32>
    %eq3A_802 = vector.broadcast %broadcast_in_dim3A_801 : vector<512x1xf32> to vector<512x1024xf32>
    %eq3A_803 = arith.cmpf oeq, %convert_element_type3A, %eq3A_802 : vector<512x1024xf32>
    %convert_element_type3A_804 = arith.extui %eq3A_803 : vector<512x1024xi1> to vector<512x1024xi32>
    %convert_element_type3A_805 = arith.sitofp %convert_element_type3A_804 : vector<512x1024xi32> to vector<512x1024xf32>
    %convert_element_type3A_806 = arith.truncf %convert_element_type3A_805 : vector<512x1024xf32> to vector<512x1024xbf16>
    %get3A_807 = arith.constant 5 : index
    %get3A_808 = arith.constant 0 : index
    %get3A_809 = arith.constant 0 : index
    %get3A_810 = vector.load %arg3[%get3A_807, %get3A_808, %get3A_809] : memref<8x1024x256xbf16, #tpu.memory_space<vmem>>, vector<1x1024x256xbf16>
    %get3A_811 = vector.shape_cast %get3A_810 : vector<1x1024x256xbf16> to vector<1024x256xbf16>
    %dot_general3A_812 = arith.constant dense<0.000000e+00> : vector<512x256xf32>
    %dot_general3A_813 = tpu.matmul %convert_element_type3A_806, %get3A_811, %dot_general3A_812 {dimension_numbers = #tpu.dot_dimension_numbers<[1], [0], [0], [1], [0, 0, 1, 1], [], []>, transpose_lhs_hint = false} : vector<512x1024xbf16>, vector<1024x256xbf16>, vector<512x256xf32> -> vector<512x256xf32>
    %get3A_814 = arith.constant 5 : index
    %get3A_815 = arith.constant 0 : index
    %get3A_816 = arith.constant 0 : index
    %get3A_817 = vector.load %arg4[%get3A_814, %get3A_815, %get3A_816] : memref<8x1024x256xbf16, #tpu.memory_space<vmem>>, vector<1x1024x256xbf16>
    %get3A_818 = vector.shape_cast %get3A_817 : vector<1x1024x256xbf16> to vector<1024x256xbf16>
    %dot_general3A_819 = arith.constant dense<0.000000e+00> : vector<512x256xf32>
    %dot_general3A_820 = tpu.matmul %convert_element_type3A_806, %get3A_818, %dot_general3A_819 {dimension_numbers = #tpu.dot_dimension_numbers<[1], [0], [0], [1], [0, 0, 1, 1], [], []>, transpose_lhs_hint = false} : vector<512x1024xbf16>, vector<1024x256xbf16>, vector<512x256xf32> -> vector<512x256xf32>
    %add3A_821 = arith.addf %dot_general3A_813, %dot_general3A_820 : vector<512x256xf32>
    %get3A_822 = arith.constant 5 : index
    %get3A_823 = arith.constant 0 : index
    %get3A_824 = arith.constant 0 : index
    %get3A_825 = vector.load %arg5[%get3A_822, %get3A_823, %get3A_824] : memref<8x1024x256xbf16, #tpu.memory_space<vmem>>, vector<1x1024x256xbf16>
    %get3A_826 = vector.shape_cast %get3A_825 : vector<1x1024x256xbf16> to vector<1024x256xbf16>
    %dot_general3A_827 = arith.constant dense<0.000000e+00> : vector<512x256xf32>
    %dot_general3A_828 = tpu.matmul %convert_element_type3A_806, %get3A_826, %dot_general3A_827 {dimension_numbers = #tpu.dot_dimension_numbers<[1], [0], [0], [1], [0, 0, 1, 1], [], []>, transpose_lhs_hint = false} : vector<512x1024xbf16>, vector<1024x256xbf16>, vector<512x256xf32> -> vector<512x256xf32>
    %add3A_829 = arith.addf %add3A_821, %dot_general3A_828 : vector<512x256xf32>
    %sub3A_830 = arith.subf %sub3A_690, %add3A_829 : vector<512x256xf32>
    %add3A_831 = arith.addf %add3A_691, %add3A_829 : vector<512x256xf32>
    %convert_element_type3A_832 = arith.fptosi %reduce_min3A_800 : vector<512xf32> to vector<512xi32>
    %swap3A_833 = arith.constant 512 : index
    %swap3A_834 = arith.constant 5 : index
    %swap3A_835 = vector.load %arg8[%swap3A_833, %swap3A_834] : memref<1024x8xi32, #tpu.memory_space<vmem>>, vector<512x1xi32>
    %swap3A_836 = vector.shape_cast %swap3A_835 : vector<512x1xi32> to vector<512xi32>
    %swap3A_837 = vector.shape_cast %convert_element_type3A_832 : vector<512xi32> to vector<512x1xi32>
    tpu.vector_store %arg8[%swap3A_833, %swap3A_834], %swap3A_837 {strides = array<i32>} : memref<1024x8xi32, #tpu.memory_space<vmem>>, vector<512x1xi32>,
    %mul3A_838 = arith.mulf %sub3A_760, %sub3A_760 : vector<512x256xf32>
    %reduce_sum3A_839 = arith.constant dense<0.000000e+00> : vector<512xf32>
    %reduce_sum3A_840 = vector.multi_reduction <add>, %mul3A_838, %reduce_sum3A_839 [1] : vector<512x256xf32> to vector<512xf32>
    %broadcast_in_dim3A_841 = vector.shape_cast %reduce_sum3A_840 : vector<512xf32> to vector<512x1xf32>
    %get3A_842 = arith.constant 6 : index
    %get3A_843 = arith.constant 0 : index
    %get3A_844 = arith.constant 0 : index
    %get3A_845 = vector.load %arg2[%get3A_842, %get3A_843, %get3A_844] : memref<8x256x1024xbf16, #tpu.memory_space<vmem>>, vector<1x256x1024xbf16>
    %get3A_846 = vector.shape_cast %get3A_845 : vector<1x256x1024xbf16> to vector<256x1024xbf16>
    %dot_general3A_847 = arith.constant dense<0.000000e+00> : vector<512x1024xf32>
    %dot_general3A_848 = tpu.matmul %sub3A_760, %get3A_846, %dot_general3A_847 {dimension_numbers = #tpu.dot_dimension_numbers<[1], [0], [0], [1], [0, 0, 1, 1], [], []>, transpose_lhs_hint = false} : vector<512x256xf32>, vector<256x1024xbf16>, vector<512x1024xf32> -> vector<512x1024xf32>
    %mul3A_849 = arith.constant 2.000000e+00 : f32
    %mul3A_850 = vector.broadcast %mul3A_849 : f32 to vector<512x1024xf32>
    %mul3A_851 = arith.mulf %mul3A_850, %dot_general3A_848 : vector<512x1024xf32>
    %sub3A_852 = vector.broadcast %broadcast_in_dim3A_841 : vector<512x1xf32> to vector<512x1024xf32>
    %sub3A_853 = arith.subf %sub3A_852, %mul3A_851 : vector<512x1024xf32>
    %get3A_854 = arith.constant 6 : index
    %get3A_855 = arith.constant 0 : index
    %get3A_856 = vector.load %arg6[%get3A_854, %get3A_855] : memref<8x1024xf32, #tpu.memory_space<vmem>>, vector<1x1024xf32>
    %get3A_857 = vector.shape_cast %get3A_856 : vector<1x1024xf32> to vector<1024xf32>
    %broadcast_in_dim3A_858 = vector.shape_cast %get3A_857 : vector<1024xf32> to vector<1x1024xf32>
    %add3A_859 = vector.broadcast %broadcast_in_dim3A_858 : vector<1x1024xf32> to vector<512x1024xf32>
    %add3A_860 = arith.addf %sub3A_853, %add3A_859 : vector<512x1024xf32>
    %reduce_min3A_861 = arith.constant dense<0x7F800000> : vector<512xf32>
    %reduce_min3A_862 = vector.multi_reduction <minimumf>, %add3A_860, %reduce_min3A_861 [1] : vector<512x1024xf32> to vector<512xf32>
    %broadcast_in_dim3A_863 = vector.shape_cast %reduce_min3A_862 : vector<512xf32> to vector<512x1xf32>
    %eq3A_864 = vector.broadcast %broadcast_in_dim3A_863 : vector<512x1xf32> to vector<512x1024xf32>
    %eq3A_865 = arith.cmpf oeq, %add3A_860, %eq3A_864 : vector<512x1024xf32>
    %jit3A_866 = arith.constant 1.024000e+03 : f32
    %broadcast_in_dim3A_867 = vector.broadcast %jit3A_866 : f32 to vector<512x1024xf32>
    %select_n3A_868 = arith.select %eq3A_865, %convert_element_type3A, %broadcast_in_dim3A_867 : vector<512x1024xi1>, vector<512x1024xf32>
    %reduce_min3A_869 = arith.constant dense<0x7F800000> : vector<512xf32>
    %reduce_min3A_870 = vector.multi_reduction <minimumf>, %select_n3A_868, %reduce_min3A_869 [1] : vector<512x1024xf32> to vector<512xf32>
    %broadcast_in_dim3A_871 = vector.shape_cast %reduce_min3A_870 : vector<512xf32> to vector<512x1xf32>
    %eq3A_872 = vector.broadcast %broadcast_in_dim3A_871 : vector<512x1xf32> to vector<512x1024xf32>
    %eq3A_873 = arith.cmpf oeq, %convert_element_type3A, %eq3A_872 : vector<512x1024xf32>
    %convert_element_type3A_874 = arith.extui %eq3A_873 : vector<512x1024xi1> to vector<512x1024xi32>
    %convert_element_type3A_875 = arith.sitofp %convert_element_type3A_874 : vector<512x1024xi32> to vector<512x1024xf32>
    %convert_element_type3A_876 = arith.truncf %convert_element_type3A_875 : vector<512x1024xf32> to vector<512x1024xbf16>
    %get3A_877 = arith.constant 6 : index
    %get3A_878 = arith.constant 0 : index
    %get3A_879 = arith.constant 0 : index
    %get3A_880 = vector.load %arg3[%get3A_877, %get3A_878, %get3A_879] : memref<8x1024x256xbf16, #tpu.memory_space<vmem>>, vector<1x1024x256xbf16>
    %get3A_881 = vector.shape_cast %get3A_880 : vector<1x1024x256xbf16> to vector<1024x256xbf16>
    %dot_general3A_882 = arith.constant dense<0.000000e+00> : vector<512x256xf32>
    %dot_general3A_883 = tpu.matmul %convert_element_type3A_876, %get3A_881, %dot_general3A_882 {dimension_numbers = #tpu.dot_dimension_numbers<[1], [0], [0], [1], [0, 0, 1, 1], [], []>, transpose_lhs_hint = false} : vector<512x1024xbf16>, vector<1024x256xbf16>, vector<512x256xf32> -> vector<512x256xf32>
    %get3A_884 = arith.constant 6 : index
    %get3A_885 = arith.constant 0 : index
    %get3A_886 = arith.constant 0 : index
    %get3A_887 = vector.load %arg4[%get3A_884, %get3A_885, %get3A_886] : memref<8x1024x256xbf16, #tpu.memory_space<vmem>>, vector<1x1024x256xbf16>
    %get3A_888 = vector.shape_cast %get3A_887 : vector<1x1024x256xbf16> to vector<1024x256xbf16>
    %dot_general3A_889 = arith.constant dense<0.000000e+00> : vector<512x256xf32>
    %dot_general3A_890 = tpu.matmul %convert_element_type3A_876, %get3A_888, %dot_general3A_889 {dimension_numbers = #tpu.dot_dimension_numbers<[1], [0], [0], [1], [0, 0, 1, 1], [], []>, transpose_lhs_hint = false} : vector<512x1024xbf16>, vector<1024x256xbf16>, vector<512x256xf32> -> vector<512x256xf32>
    %add3A_891 = arith.addf %dot_general3A_883, %dot_general3A_890 : vector<512x256xf32>
    %get3A_892 = arith.constant 6 : index
    %get3A_893 = arith.constant 0 : index
    %get3A_894 = arith.constant 0 : index
    %get3A_895 = vector.load %arg5[%get3A_892, %get3A_893, %get3A_894] : memref<8x1024x256xbf16, #tpu.memory_space<vmem>>, vector<1x1024x256xbf16>
    %get3A_896 = vector.shape_cast %get3A_895 : vector<1x1024x256xbf16> to vector<1024x256xbf16>
    %dot_general3A_897 = arith.constant dense<0.000000e+00> : vector<512x256xf32>
    %dot_general3A_898 = tpu.matmul %convert_element_type3A_876, %get3A_896, %dot_general3A_897 {dimension_numbers = #tpu.dot_dimension_numbers<[1], [0], [0], [1], [0, 0, 1, 1], [], []>, transpose_lhs_hint = false} : vector<512x1024xbf16>, vector<1024x256xbf16>, vector<512x256xf32> -> vector<512x256xf32>
    %add3A_899 = arith.addf %add3A_891, %dot_general3A_898 : vector<512x256xf32>
    %sub3A_900 = arith.subf %sub3A_760, %add3A_899 : vector<512x256xf32>
    %add3A_901 = arith.addf %add3A_761, %add3A_899 : vector<512x256xf32>
    %convert_element_type3A_902 = arith.fptosi %reduce_min3A_870 : vector<512xf32> to vector<512xi32>
    %swap3A_903 = arith.constant 0 : index
    %swap3A_904 = arith.constant 6 : index
    %swap3A_905 = vector.load %arg8[%swap3A_903, %swap3A_904] : memref<1024x8xi32, #tpu.memory_space<vmem>>, vector<512x1xi32>
    %swap3A_906 = vector.shape_cast %swap3A_905 : vector<512x1xi32> to vector<512xi32>
    %swap3A_907 = vector.shape_cast %convert_element_type3A_902 : vector<512xi32> to vector<512x1xi32>
    tpu.vector_store %arg8[%swap3A_903, %swap3A_904], %swap3A_907 {strides = array<i32>} : memref<1024x8xi32, #tpu.memory_space<vmem>>, vector<512x1xi32>,
    %mul3A_908 = arith.mulf %sub3A_830, %sub3A_830 : vector<512x256xf32>
    %reduce_sum3A_909 = arith.constant dense<0.000000e+00> : vector<512xf32>
    %reduce_sum3A_910 = vector.multi_reduction <add>, %mul3A_908, %reduce_sum3A_909 [1] : vector<512x256xf32> to vector<512xf32>
    %broadcast_in_dim3A_911 = vector.shape_cast %reduce_sum3A_910 : vector<512xf32> to vector<512x1xf32>
    %get3A_912 = arith.constant 6 : index
    %get3A_913 = arith.constant 0 : index
    %get3A_914 = arith.constant 0 : index
    %get3A_915 = vector.load %arg2[%get3A_912, %get3A_913, %get3A_914] : memref<8x256x1024xbf16, #tpu.memory_space<vmem>>, vector<1x256x1024xbf16>
    %get3A_916 = vector.shape_cast %get3A_915 : vector<1x256x1024xbf16> to vector<256x1024xbf16>
    %dot_general3A_917 = arith.constant dense<0.000000e+00> : vector<512x1024xf32>
    %dot_general3A_918 = tpu.matmul %sub3A_830, %get3A_916, %dot_general3A_917 {dimension_numbers = #tpu.dot_dimension_numbers<[1], [0], [0], [1], [0, 0, 1, 1], [], []>, transpose_lhs_hint = false} : vector<512x256xf32>, vector<256x1024xbf16>, vector<512x1024xf32> -> vector<512x1024xf32>
    %mul3A_919 = arith.constant 2.000000e+00 : f32
    %mul3A_920 = vector.broadcast %mul3A_919 : f32 to vector<512x1024xf32>
    %mul3A_921 = arith.mulf %mul3A_920, %dot_general3A_918 : vector<512x1024xf32>
    %sub3A_922 = vector.broadcast %broadcast_in_dim3A_911 : vector<512x1xf32> to vector<512x1024xf32>
    %sub3A_923 = arith.subf %sub3A_922, %mul3A_921 : vector<512x1024xf32>
    %get3A_924 = arith.constant 6 : index
    %get3A_925 = arith.constant 0 : index
    %get3A_926 = vector.load %arg6[%get3A_924, %get3A_925] : memref<8x1024xf32, #tpu.memory_space<vmem>>, vector<1x1024xf32>
    %get3A_927 = vector.shape_cast %get3A_926 : vector<1x1024xf32> to vector<1024xf32>
    %broadcast_in_dim3A_928 = vector.shape_cast %get3A_927 : vector<1024xf32> to vector<1x1024xf32>
    %add3A_929 = vector.broadcast %broadcast_in_dim3A_928 : vector<1x1024xf32> to vector<512x1024xf32>
    %add3A_930 = arith.addf %sub3A_923, %add3A_929 : vector<512x1024xf32>
    %reduce_min3A_931 = arith.constant dense<0x7F800000> : vector<512xf32>
    %reduce_min3A_932 = vector.multi_reduction <minimumf>, %add3A_930, %reduce_min3A_931 [1] : vector<512x1024xf32> to vector<512xf32>
    %broadcast_in_dim3A_933 = vector.shape_cast %reduce_min3A_932 : vector<512xf32> to vector<512x1xf32>
    %eq3A_934 = vector.broadcast %broadcast_in_dim3A_933 : vector<512x1xf32> to vector<512x1024xf32>
    %eq3A_935 = arith.cmpf oeq, %add3A_930, %eq3A_934 : vector<512x1024xf32>
    %jit3A_936 = arith.constant 1.024000e+03 : f32
    %broadcast_in_dim3A_937 = vector.broadcast %jit3A_936 : f32 to vector<512x1024xf32>
    %select_n3A_938 = arith.select %eq3A_935, %convert_element_type3A, %broadcast_in_dim3A_937 : vector<512x1024xi1>, vector<512x1024xf32>
    %reduce_min3A_939 = arith.constant dense<0x7F800000> : vector<512xf32>
    %reduce_min3A_940 = vector.multi_reduction <minimumf>, %select_n3A_938, %reduce_min3A_939 [1] : vector<512x1024xf32> to vector<512xf32>
    %broadcast_in_dim3A_941 = vector.shape_cast %reduce_min3A_940 : vector<512xf32> to vector<512x1xf32>
    %eq3A_942 = vector.broadcast %broadcast_in_dim3A_941 : vector<512x1xf32> to vector<512x1024xf32>
    %eq3A_943 = arith.cmpf oeq, %convert_element_type3A, %eq3A_942 : vector<512x1024xf32>
    %convert_element_type3A_944 = arith.extui %eq3A_943 : vector<512x1024xi1> to vector<512x1024xi32>
    %convert_element_type3A_945 = arith.sitofp %convert_element_type3A_944 : vector<512x1024xi32> to vector<512x1024xf32>
    %convert_element_type3A_946 = arith.truncf %convert_element_type3A_945 : vector<512x1024xf32> to vector<512x1024xbf16>
    %get3A_947 = arith.constant 6 : index
    %get3A_948 = arith.constant 0 : index
    %get3A_949 = arith.constant 0 : index
    %get3A_950 = vector.load %arg3[%get3A_947, %get3A_948, %get3A_949] : memref<8x1024x256xbf16, #tpu.memory_space<vmem>>, vector<1x1024x256xbf16>
    %get3A_951 = vector.shape_cast %get3A_950 : vector<1x1024x256xbf16> to vector<1024x256xbf16>
    %dot_general3A_952 = arith.constant dense<0.000000e+00> : vector<512x256xf32>
    %dot_general3A_953 = tpu.matmul %convert_element_type3A_946, %get3A_951, %dot_general3A_952 {dimension_numbers = #tpu.dot_dimension_numbers<[1], [0], [0], [1], [0, 0, 1, 1], [], []>, transpose_lhs_hint = false} : vector<512x1024xbf16>, vector<1024x256xbf16>, vector<512x256xf32> -> vector<512x256xf32>
    %get3A_954 = arith.constant 6 : index
    %get3A_955 = arith.constant 0 : index
    %get3A_956 = arith.constant 0 : index
    %get3A_957 = vector.load %arg4[%get3A_954, %get3A_955, %get3A_956] : memref<8x1024x256xbf16, #tpu.memory_space<vmem>>, vector<1x1024x256xbf16>
    %get3A_958 = vector.shape_cast %get3A_957 : vector<1x1024x256xbf16> to vector<1024x256xbf16>
    %dot_general3A_959 = arith.constant dense<0.000000e+00> : vector<512x256xf32>
    %dot_general3A_960 = tpu.matmul %convert_element_type3A_946, %get3A_958, %dot_general3A_959 {dimension_numbers = #tpu.dot_dimension_numbers<[1], [0], [0], [1], [0, 0, 1, 1], [], []>, transpose_lhs_hint = false} : vector<512x1024xbf16>, vector<1024x256xbf16>, vector<512x256xf32> -> vector<512x256xf32>
    %add3A_961 = arith.addf %dot_general3A_953, %dot_general3A_960 : vector<512x256xf32>
    %get3A_962 = arith.constant 6 : index
    %get3A_963 = arith.constant 0 : index
    %get3A_964 = arith.constant 0 : index
    %get3A_965 = vector.load %arg5[%get3A_962, %get3A_963, %get3A_964] : memref<8x1024x256xbf16, #tpu.memory_space<vmem>>, vector<1x1024x256xbf16>
    %get3A_966 = vector.shape_cast %get3A_965 : vector<1x1024x256xbf16> to vector<1024x256xbf16>
    %dot_general3A_967 = arith.constant dense<0.000000e+00> : vector<512x256xf32>
    %dot_general3A_968 = tpu.matmul %convert_element_type3A_946, %get3A_966, %dot_general3A_967 {dimension_numbers = #tpu.dot_dimension_numbers<[1], [0], [0], [1], [0, 0, 1, 1], [], []>, transpose_lhs_hint = false} : vector<512x1024xbf16>, vector<1024x256xbf16>, vector<512x256xf32> -> vector<512x256xf32>
    %add3A_969 = arith.addf %add3A_961, %dot_general3A_968 : vector<512x256xf32>
    %sub3A_970 = arith.subf %sub3A_830, %add3A_969 : vector<512x256xf32>
    %add3A_971 = arith.addf %add3A_831, %add3A_969 : vector<512x256xf32>
    %convert_element_type3A_972 = arith.fptosi %reduce_min3A_940 : vector<512xf32> to vector<512xi32>
    %swap3A_973 = arith.constant 512 : index
    %swap3A_974 = arith.constant 6 : index
    %swap3A_975 = vector.load %arg8[%swap3A_973, %swap3A_974] : memref<1024x8xi32, #tpu.memory_space<vmem>>, vector<512x1xi32>
    %swap3A_976 = vector.shape_cast %swap3A_975 : vector<512x1xi32> to vector<512xi32>
    %swap3A_977 = vector.shape_cast %convert_element_type3A_972 : vector<512xi32> to vector<512x1xi32>
    tpu.vector_store %arg8[%swap3A_973, %swap3A_974], %swap3A_977 {strides = array<i32>} : memref<1024x8xi32, #tpu.memory_space<vmem>>, vector<512x1xi32>,
    %mul3A_978 = arith.mulf %sub3A_900, %sub3A_900 : vector<512x256xf32>
    %reduce_sum3A_979 = arith.constant dense<0.000000e+00> : vector<512xf32>
    %reduce_sum3A_980 = vector.multi_reduction <add>, %mul3A_978, %reduce_sum3A_979 [1] : vector<512x256xf32> to vector<512xf32>
    %broadcast_in_dim3A_981 = vector.shape_cast %reduce_sum3A_980 : vector<512xf32> to vector<512x1xf32>
    %get3A_982 = arith.constant 7 : index
    %get3A_983 = arith.constant 0 : index
    %get3A_984 = arith.constant 0 : index
    %get3A_985 = vector.load %arg2[%get3A_982, %get3A_983, %get3A_984] : memref<8x256x1024xbf16, #tpu.memory_space<vmem>>, vector<1x256x1024xbf16>
    %get3A_986 = vector.shape_cast %get3A_985 : vector<1x256x1024xbf16> to vector<256x1024xbf16>
    %dot_general3A_987 = arith.constant dense<0.000000e+00> : vector<512x1024xf32>
    %dot_general3A_988 = tpu.matmul %sub3A_900, %get3A_986, %dot_general3A_987 {dimension_numbers = #tpu.dot_dimension_numbers<[1], [0], [0], [1], [0, 0, 1, 1], [], []>, transpose_lhs_hint = false} : vector<512x256xf32>, vector<256x1024xbf16>, vector<512x1024xf32> -> vector<512x1024xf32>
    %mul3A_989 = arith.constant 2.000000e+00 : f32
    %mul3A_990 = vector.broadcast %mul3A_989 : f32 to vector<512x1024xf32>
    %mul3A_991 = arith.mulf %mul3A_990, %dot_general3A_988 : vector<512x1024xf32>
    %sub3A_992 = vector.broadcast %broadcast_in_dim3A_981 : vector<512x1xf32> to vector<512x1024xf32>
    %sub3A_993 = arith.subf %sub3A_992, %mul3A_991 : vector<512x1024xf32>
    %get3A_994 = arith.constant 7 : index
    %get3A_995 = arith.constant 0 : index
    %get3A_996 = vector.load %arg6[%get3A_994, %get3A_995] : memref<8x1024xf32, #tpu.memory_space<vmem>>, vector<1x1024xf32>
    %get3A_997 = vector.shape_cast %get3A_996 : vector<1x1024xf32> to vector<1024xf32>
    %broadcast_in_dim3A_998 = vector.shape_cast %get3A_997 : vector<1024xf32> to vector<1x1024xf32>
    %add3A_999 = vector.broadcast %broadcast_in_dim3A_998 : vector<1x1024xf32> to vector<512x1024xf32>
    %add3A_1000 = arith.addf %sub3A_993, %add3A_999 : vector<512x1024xf32>
    %reduce_min3A_1001 = arith.constant dense<0x7F800000> : vector<512xf32>
    %reduce_min3A_1002 = vector.multi_reduction <minimumf>, %add3A_1000, %reduce_min3A_1001 [1] : vector<512x1024xf32> to vector<512xf32>
    %broadcast_in_dim3A_1003 = vector.shape_cast %reduce_min3A_1002 : vector<512xf32> to vector<512x1xf32>
    %eq3A_1004 = vector.broadcast %broadcast_in_dim3A_1003 : vector<512x1xf32> to vector<512x1024xf32>
    %eq3A_1005 = arith.cmpf oeq, %add3A_1000, %eq3A_1004 : vector<512x1024xf32>
    %jit3A_1006 = arith.constant 1.024000e+03 : f32
    %broadcast_in_dim3A_1007 = vector.broadcast %jit3A_1006 : f32 to vector<512x1024xf32>
    %select_n3A_1008 = arith.select %eq3A_1005, %convert_element_type3A, %broadcast_in_dim3A_1007 : vector<512x1024xi1>, vector<512x1024xf32>
    %reduce_min3A_1009 = arith.constant dense<0x7F800000> : vector<512xf32>
    %reduce_min3A_1010 = vector.multi_reduction <minimumf>, %select_n3A_1008, %reduce_min3A_1009 [1] : vector<512x1024xf32> to vector<512xf32>
    %broadcast_in_dim3A_1011 = vector.shape_cast %reduce_min3A_1010 : vector<512xf32> to vector<512x1xf32>
    %eq3A_1012 = vector.broadcast %broadcast_in_dim3A_1011 : vector<512x1xf32> to vector<512x1024xf32>
    %eq3A_1013 = arith.cmpf oeq, %convert_element_type3A, %eq3A_1012 : vector<512x1024xf32>
    %convert_element_type3A_1014 = arith.extui %eq3A_1013 : vector<512x1024xi1> to vector<512x1024xi32>
    %convert_element_type3A_1015 = arith.sitofp %convert_element_type3A_1014 : vector<512x1024xi32> to vector<512x1024xf32>
    %convert_element_type3A_1016 = arith.truncf %convert_element_type3A_1015 : vector<512x1024xf32> to vector<512x1024xbf16>
    %get3A_1017 = arith.constant 7 : index
    %get3A_1018 = arith.constant 0 : index
    %get3A_1019 = arith.constant 0 : index
    %get3A_1020 = vector.load %arg3[%get3A_1017, %get3A_1018, %get3A_1019] : memref<8x1024x256xbf16, #tpu.memory_space<vmem>>, vector<1x1024x256xbf16>
    %get3A_1021 = vector.shape_cast %get3A_1020 : vector<1x1024x256xbf16> to vector<1024x256xbf16>
    %dot_general3A_1022 = arith.constant dense<0.000000e+00> : vector<512x256xf32>
    %dot_general3A_1023 = tpu.matmul %convert_element_type3A_1016, %get3A_1021, %dot_general3A_1022 {dimension_numbers = #tpu.dot_dimension_numbers<[1], [0], [0], [1], [0, 0, 1, 1], [], []>, transpose_lhs_hint = false} : vector<512x1024xbf16>, vector<1024x256xbf16>, vector<512x256xf32> -> vector<512x256xf32>
    %get3A_1024 = arith.constant 7 : index
    %get3A_1025 = arith.constant 0 : index
    %get3A_1026 = arith.constant 0 : index
    %get3A_1027 = vector.load %arg4[%get3A_1024, %get3A_1025, %get3A_1026] : memref<8x1024x256xbf16, #tpu.memory_space<vmem>>, vector<1x1024x256xbf16>
    %get3A_1028 = vector.shape_cast %get3A_1027 : vector<1x1024x256xbf16> to vector<1024x256xbf16>
    %dot_general3A_1029 = arith.constant dense<0.000000e+00> : vector<512x256xf32>
    %dot_general3A_1030 = tpu.matmul %convert_element_type3A_1016, %get3A_1028, %dot_general3A_1029 {dimension_numbers = #tpu.dot_dimension_numbers<[1], [0], [0], [1], [0, 0, 1, 1], [], []>, transpose_lhs_hint = false} : vector<512x1024xbf16>, vector<1024x256xbf16>, vector<512x256xf32> -> vector<512x256xf32>
    %add3A_1031 = arith.addf %dot_general3A_1023, %dot_general3A_1030 : vector<512x256xf32>
    %get3A_1032 = arith.constant 7 : index
    %get3A_1033 = arith.constant 0 : index
    %get3A_1034 = arith.constant 0 : index
    %get3A_1035 = vector.load %arg5[%get3A_1032, %get3A_1033, %get3A_1034] : memref<8x1024x256xbf16, #tpu.memory_space<vmem>>, vector<1x1024x256xbf16>
    %get3A_1036 = vector.shape_cast %get3A_1035 : vector<1x1024x256xbf16> to vector<1024x256xbf16>
    %dot_general3A_1037 = arith.constant dense<0.000000e+00> : vector<512x256xf32>
    %dot_general3A_1038 = tpu.matmul %convert_element_type3A_1016, %get3A_1036, %dot_general3A_1037 {dimension_numbers = #tpu.dot_dimension_numbers<[1], [0], [0], [1], [0, 0, 1, 1], [], []>, transpose_lhs_hint = false} : vector<512x1024xbf16>, vector<1024x256xbf16>, vector<512x256xf32> -> vector<512x256xf32>
    %add3A_1039 = arith.addf %add3A_1031, %dot_general3A_1038 : vector<512x256xf32>
    %add3A_1040 = arith.addf %add3A_901, %add3A_1039 : vector<512x256xf32>
    %convert_element_type3A_1041 = arith.fptosi %reduce_min3A_1010 : vector<512xf32> to vector<512xi32>
    %swap3A_1042 = arith.constant 0 : index
    %swap3A_1043 = arith.constant 7 : index
    %swap3A_1044 = vector.load %arg8[%swap3A_1042, %swap3A_1043] : memref<1024x8xi32, #tpu.memory_space<vmem>>, vector<512x1xi32>
    %swap3A_1045 = vector.shape_cast %swap3A_1044 : vector<512x1xi32> to vector<512xi32>
    %swap3A_1046 = vector.shape_cast %convert_element_type3A_1041 : vector<512xi32> to vector<512x1xi32>
    tpu.vector_store %arg8[%swap3A_1042, %swap3A_1043], %swap3A_1046 {strides = array<i32>} : memref<1024x8xi32, #tpu.memory_space<vmem>>, vector<512x1xi32>,
    %mul3A_1047 = arith.mulf %sub3A_970, %sub3A_970 : vector<512x256xf32>
    %reduce_sum3A_1048 = arith.constant dense<0.000000e+00> : vector<512xf32>
    %reduce_sum3A_1049 = vector.multi_reduction <add>, %mul3A_1047, %reduce_sum3A_1048 [1] : vector<512x256xf32> to vector<512xf32>
    %broadcast_in_dim3A_1050 = vector.shape_cast %reduce_sum3A_1049 : vector<512xf32> to vector<512x1xf32>
    %get3A_1051 = arith.constant 7 : index
    %get3A_1052 = arith.constant 0 : index
    %get3A_1053 = arith.constant 0 : index
    %get3A_1054 = vector.load %arg2[%get3A_1051, %get3A_1052, %get3A_1053] : memref<8x256x1024xbf16, #tpu.memory_space<vmem>>, vector<1x256x1024xbf16>
    %get3A_1055 = vector.shape_cast %get3A_1054 : vector<1x256x1024xbf16> to vector<256x1024xbf16>
    %dot_general3A_1056 = arith.constant dense<0.000000e+00> : vector<512x1024xf32>
    %dot_general3A_1057 = tpu.matmul %sub3A_970, %get3A_1055, %dot_general3A_1056 {dimension_numbers = #tpu.dot_dimension_numbers<[1], [0], [0], [1], [0, 0, 1, 1], [], []>, transpose_lhs_hint = false} : vector<512x256xf32>, vector<256x1024xbf16>, vector<512x1024xf32> -> vector<512x1024xf32>
    %mul3A_1058 = arith.constant 2.000000e+00 : f32
    %mul3A_1059 = vector.broadcast %mul3A_1058 : f32 to vector<512x1024xf32>
    %mul3A_1060 = arith.mulf %mul3A_1059, %dot_general3A_1057 : vector<512x1024xf32>
    %sub3A_1061 = vector.broadcast %broadcast_in_dim3A_1050 : vector<512x1xf32> to vector<512x1024xf32>
    %sub3A_1062 = arith.subf %sub3A_1061, %mul3A_1060 : vector<512x1024xf32>
    %get3A_1063 = arith.constant 7 : index
    %get3A_1064 = arith.constant 0 : index
    %get3A_1065 = vector.load %arg6[%get3A_1063, %get3A_1064] : memref<8x1024xf32, #tpu.memory_space<vmem>>, vector<1x1024xf32>
    %get3A_1066 = vector.shape_cast %get3A_1065 : vector<1x1024xf32> to vector<1024xf32>
    %broadcast_in_dim3A_1067 = vector.shape_cast %get3A_1066 : vector<1024xf32> to vector<1x1024xf32>
    %add3A_1068 = vector.broadcast %broadcast_in_dim3A_1067 : vector<1x1024xf32> to vector<512x1024xf32>
    %add3A_1069 = arith.addf %sub3A_1062, %add3A_1068 : vector<512x1024xf32>
    %reduce_min3A_1070 = arith.constant dense<0x7F800000> : vector<512xf32>
    %reduce_min3A_1071 = vector.multi_reduction <minimumf>, %add3A_1069, %reduce_min3A_1070 [1] : vector<512x1024xf32> to vector<512xf32>
    %broadcast_in_dim3A_1072 = vector.shape_cast %reduce_min3A_1071 : vector<512xf32> to vector<512x1xf32>
    %eq3A_1073 = vector.broadcast %broadcast_in_dim3A_1072 : vector<512x1xf32> to vector<512x1024xf32>
    %eq3A_1074 = arith.cmpf oeq, %add3A_1069, %eq3A_1073 : vector<512x1024xf32>
    %jit3A_1075 = arith.constant 1.024000e+03 : f32
    %broadcast_in_dim3A_1076 = vector.broadcast %jit3A_1075 : f32 to vector<512x1024xf32>
    %select_n3A_1077 = arith.select %eq3A_1074, %convert_element_type3A, %broadcast_in_dim3A_1076 : vector<512x1024xi1>, vector<512x1024xf32>
    %reduce_min3A_1078 = arith.constant dense<0x7F800000> : vector<512xf32>
    %reduce_min3A_1079 = vector.multi_reduction <minimumf>, %select_n3A_1077, %reduce_min3A_1078 [1] : vector<512x1024xf32> to vector<512xf32>
    %broadcast_in_dim3A_1080 = vector.shape_cast %reduce_min3A_1079 : vector<512xf32> to vector<512x1xf32>
    %eq3A_1081 = vector.broadcast %broadcast_in_dim3A_1080 : vector<512x1xf32> to vector<512x1024xf32>
    %eq3A_1082 = arith.cmpf oeq, %convert_element_type3A, %eq3A_1081 : vector<512x1024xf32>
    %convert_element_type3A_1083 = arith.extui %eq3A_1082 : vector<512x1024xi1> to vector<512x1024xi32>
    %convert_element_type3A_1084 = arith.sitofp %convert_element_type3A_1083 : vector<512x1024xi32> to vector<512x1024xf32>
    %convert_element_type3A_1085 = arith.truncf %convert_element_type3A_1084 : vector<512x1024xf32> to vector<512x1024xbf16>
    %get3A_1086 = arith.constant 7 : index
    %get3A_1087 = arith.constant 0 : index
    %get3A_1088 = arith.constant 0 : index
    %get3A_1089 = vector.load %arg3[%get3A_1086, %get3A_1087, %get3A_1088] : memref<8x1024x256xbf16, #tpu.memory_space<vmem>>, vector<1x1024x256xbf16>
    %get3A_1090 = vector.shape_cast %get3A_1089 : vector<1x1024x256xbf16> to vector<1024x256xbf16>
    %dot_general3A_1091 = arith.constant dense<0.000000e+00> : vector<512x256xf32>
    %dot_general3A_1092 = tpu.matmul %convert_element_type3A_1085, %get3A_1090, %dot_general3A_1091 {dimension_numbers = #tpu.dot_dimension_numbers<[1], [0], [0], [1], [0, 0, 1, 1], [], []>, transpose_lhs_hint = false} : vector<512x1024xbf16>, vector<1024x256xbf16>, vector<512x256xf32> -> vector<512x256xf32>
    %get3A_1093 = arith.constant 7 : index
    %get3A_1094 = arith.constant 0 : index
    %get3A_1095 = arith.constant 0 : index
    %get3A_1096 = vector.load %arg4[%get3A_1093, %get3A_1094, %get3A_1095] : memref<8x1024x256xbf16, #tpu.memory_space<vmem>>, vector<1x1024x256xbf16>
    %get3A_1097 = vector.shape_cast %get3A_1096 : vector<1x1024x256xbf16> to vector<1024x256xbf16>
    %dot_general3A_1098 = arith.constant dense<0.000000e+00> : vector<512x256xf32>
    %dot_general3A_1099 = tpu.matmul %convert_element_type3A_1085, %get3A_1097, %dot_general3A_1098 {dimension_numbers = #tpu.dot_dimension_numbers<[1], [0], [0], [1], [0, 0, 1, 1], [], []>, transpose_lhs_hint = false} : vector<512x1024xbf16>, vector<1024x256xbf16>, vector<512x256xf32> -> vector<512x256xf32>
    %add3A_1100 = arith.addf %dot_general3A_1092, %dot_general3A_1099 : vector<512x256xf32>
    %get3A_1101 = arith.constant 7 : index
    %get3A_1102 = arith.constant 0 : index
    %get3A_1103 = arith.constant 0 : index
    %get3A_1104 = vector.load %arg5[%get3A_1101, %get3A_1102, %get3A_1103] : memref<8x1024x256xbf16, #tpu.memory_space<vmem>>, vector<1x1024x256xbf16>
    %get3A_1105 = vector.shape_cast %get3A_1104 : vector<1x1024x256xbf16> to vector<1024x256xbf16>
    %dot_general3A_1106 = arith.constant dense<0.000000e+00> : vector<512x256xf32>
    %dot_general3A_1107 = tpu.matmul %convert_element_type3A_1085, %get3A_1105, %dot_general3A_1106 {dimension_numbers = #tpu.dot_dimension_numbers<[1], [0], [0], [1], [0, 0, 1, 1], [], []>, transpose_lhs_hint = false} : vector<512x1024xbf16>, vector<1024x256xbf16>, vector<512x256xf32> -> vector<512x256xf32>
    %add3A_1108 = arith.addf %add3A_1100, %dot_general3A_1107 : vector<512x256xf32>
    %add3A_1109 = arith.addf %add3A_971, %add3A_1108 : vector<512x256xf32>
    %convert_element_type3A_1110 = arith.fptosi %reduce_min3A_1079 : vector<512xf32> to vector<512xi32>
    %swap3A_1111 = arith.constant 512 : index
    %swap3A_1112 = arith.constant 7 : index
    %swap3A_1113 = vector.load %arg8[%swap3A_1111, %swap3A_1112] : memref<1024x8xi32, #tpu.memory_space<vmem>>, vector<512x1xi32>
    %swap3A_1114 = vector.shape_cast %swap3A_1113 : vector<512x1xi32> to vector<512xi32>
    %swap3A_1115 = vector.shape_cast %convert_element_type3A_1110 : vector<512xi32> to vector<512x1xi32>
    tpu.vector_store %arg8[%swap3A_1111, %swap3A_1112], %swap3A_1115 {strides = array<i32>} : memref<1024x8xi32, #tpu.memory_space<vmem>>, vector<512x1xi32>,
    %swap3A_1116 = arith.constant 0 : index
    %swap3A_1117 = arith.constant 0 : index
    %swap3A_1118 = vector.load %arg7[%swap3A_1116, %swap3A_1117] : memref<1024x256xf32, #tpu.memory_space<vmem>>, vector<512x256xf32>
    tpu.vector_store %arg7[%swap3A_1116, %swap3A_1117], %add3A_1040 {strides = array<i32>} : memref<1024x256xf32, #tpu.memory_space<vmem>>, vector<512x256xf32>,
    %swap3A_1119 = arith.constant 512 : index
    %swap3A_1120 = arith.constant 0 : index
    %swap3A_1121 = vector.load %arg7[%swap3A_1119, %swap3A_1120] : memref<1024x256xf32, #tpu.memory_space<vmem>>, vector<512x256xf32>
    tpu.vector_store %arg7[%swap3A_1119, %swap3A_1120], %add3A_1109 {strides = array<i32>} : memref<1024x256xf32, #tpu.memory_space<vmem>>, vector<512x256xf32>,
    return
  }
  func.func @transform_0(%arg0: i32) -> (i32, i32) {
    %c0_i32 = arith.constant 0 : i32
    %c0_i32_0 = arith.constant 0 : i32
    return %arg0, %c0_i32 : i32, i32
  }
  func.func @transform_1(%arg0: i32) -> (i32, i32, i32) {
    %c0_i32 = arith.constant 0 : i32
    %c0_i32_0 = arith.constant 0 : i32
    %c0_i32_1 = arith.constant 0 : i32
    %c0_i32_2 = arith.constant 0 : i32
    return %c0_i32, %c0_i32_0, %c0_i32_1 : i32, i32, i32
  }
  func.func @transform_2(%arg0: i32) -> (i32, i32, i32) {
    %c0_i32 = arith.constant 0 : i32
    %c0_i32_0 = arith.constant 0 : i32
    %c0_i32_1 = arith.constant 0 : i32
    %c0_i32_2 = arith.constant 0 : i32
    return %c0_i32, %c0_i32_0, %c0_i32_1 : i32, i32, i32
  }
  func.func @transform_3(%arg0: i32) -> (i32, i32, i32) {
    %c0_i32 = arith.constant 0 : i32
    %c0_i32_0 = arith.constant 0 : i32
    %c0_i32_1 = arith.constant 0 : i32
    %c0_i32_2 = arith.constant 0 : i32
    return %c0_i32, %c0_i32_0, %c0_i32_1 : i32, i32, i32
  }
  func.func @transform_4(%arg0: i32) -> (i32, i32, i32) {
    %c0_i32 = arith.constant 0 : i32
    %c0_i32_0 = arith.constant 0 : i32
    %c0_i32_1 = arith.constant 0 : i32
    %c0_i32_2 = arith.constant 0 : i32
    return %c0_i32, %c0_i32_0, %c0_i32_1 : i32, i32, i32
  }
  func.func @transform_5(%arg0: i32) -> (i32, i32) {
    %c0_i32 = arith.constant 0 : i32
    %c0_i32_0 = arith.constant 0 : i32
    %c0_i32_1 = arith.constant 0 : i32
    return %c0_i32, %c0_i32_0 : i32, i32
  }
  func.func @transform_6(%arg0: i32) -> (i32, i32) {
    %c0_i32 = arith.constant 0 : i32
    %c0_i32_0 = arith.constant 0 : i32
    return %arg0, %c0_i32 : i32, i32
  }
  func.func @transform_7(%arg0: i32) -> (i32, i32) {
    %c0_i32 = arith.constant 0 : i32
    %c0_i32_0 = arith.constant 0 : i32
    return %arg0, %c0_i32 : i32, i32
  }
}

</mosaic_0001>

<sc_bundles>
// kernel: sparse-core-data-format-call.1.cloned.1.call-start
scs
called_computation.1_lowered:
.L_overlay_start_0:
0x0: {  	s2 =	sld [smem:$0x3FD9]  }
0x1: {  	s3 =	sld [smem:$0x3FFE];
	_ =	sdelay $0x1  }
0x2: {  	s1 =	srdreg.scid  }
0x3: {  	s0 =	sand.u32 $0x1, s1  }
0x4: {  	s16 =	sshll.u32 s0, $0xA;
	s2 =	sadd.s32 s3, s2  }
0x5: {  	s2 =	sadd.s32 s2, s16  }
0x6: {  	[smem:$0x3FC6] =	sst s2  }
0x7: {  	_ = 	snop  }
0x8: {  	s2 =	sld [smem:$0x3FD0];
	_ =	sdelay $0x2  }
0x9: {  	s4 =	simm.s32 $0xA;
	s5 =	simm.s32 $0x10;
	s17 =	sld [smem:$0x3FC9]  }
0xa: {  	[smem:s5], [sflag:s4] =	dma.local [hbm:s2], $0x1  }
0xb: {  	_ =	swait.eq [sflag:s4], $0x1  }
0xc: {  	[sflag:s4] =	ssyncset.done $0x0  }
0xd: {  	[sflag:s4] =	ssyncadd.s32 $0xFFFFFFFF  }
0xe: {  	s18 =	sld [smem:$0x10];
	(tm) =	ssettm $0x1  }
0xf: {  	s19 =	sld [smem:$0x3FFB];
	_ =	sdelay $0x3  }
0x10: {  	_ =	strace s19  }
0x11: {  	s4 =	sld [smem:$0x3FFC];
	_ =	sdelay $0x3  }
0x12: {  	_ =	strace s4  }
0x13: {  	s4 =	sld [smem:$0x3FFD];
	_ =	sdelay $0x3  }
0x14: {  	_ =	strace s4  }
0x15: {  	_ =	strace $0x8FFFFFFF  }
0x16: {  	s20 =	sld [smem:$0x3FDB];
	_ =	sdelay $0x1  }
0x17: {  	s21 =	simm.s32 $_scs_section_size  }
0x18: {  	s6 =	simm.s32 $_size__tile_overlayer_lowered;
	s7 =	simm.s32 $_tile_overlayer_lowered  }
0x19: {  	s24 =	simm.s32 $0x1BFF;
	s23 =	sshll.u32 s7, $0x1;
	s4 =	sadd.s32 s21, s20  }
0x1a: {  	s8 =	simm.s32 $0x0;
	s22 =	sshll.u32 s6, $0x1;
	s6 =	sadd.s32 s23, s4  }
0x1b: {  	[timem:s8], [sflag:s24] =	dma.local [hbm:s6], s22  }
0x1c: {  	_ =	swait.ge [sflag:s24], s22  }
0x1d: {  	s5 =	ssub.s32 $0x0, s22;
	[sflag:s24] =	ssyncset.done $0x0  }
0x1e: {  	[sflag:s24] =	ssyncadd.s32 s5;
	_ =	sdelay $0x1  }
0x1f: {  	s25 =	simm.s32 $0x1B8B  }
0x20: {  	_ =	swait.ge [sflag:s25], $0x1  }
0x21: {  	[sflag:s25] =	ssyncset.done $0x0  }
0x22: {  	s26 =	simm.s32 $0x1B8E;
	[sflag:s25] =	ssyncadd.s32 $0xFFFFFFFF  }
0x23: {  	s27 =	simm.s32 $execute0_lowered;
	[smem:$0x3FD2] =	sst s26  }
0x24: {  	s5 =	sshll.u32 s27, $0x1;
	_ =	strace $0x80000046;
	[dreg:$0x1] =	wrdreg $0xFFFFFFFF  }
0x25: {  	s28 =	simm.s32 $_size_execute0_lowered;
	s4 =	sadd.s32 s4, s5;
	[dreg:$0x0] =	wrdreg $0x0  }
0x26: {  	s5 =	sshll.u32 s28, $0x1;
	[dreg:$0x2] =	wrdreg s4  }
0x27: {  	[dreg:$0x3] =	wrdreg s5  }
0x28: {  	[dreg:$0x4] =	wrdreg $0xC0  }
0x29: {  	_ =	task [dreg:s8], $0x5FFFF  }
0x2a: {  	[dreg:$0x1] =	wrdreg $0xFFFFFFFF  }
0x2b: {  	[dreg:$0x0] =	wrdreg $0x60  }
0x2c: {  	[dreg:$0x2] =	wrdreg s17  }
0x2d: {  	[dreg:$0x3] =	wrdreg s18  }
0x2e: {  	[dreg:$0x4] =	wrdreg $0x9  }
0x2f: {  	_ =	task.clear_ibuf [dreg:s8], $0x5FFFF;
	_ =	strace $0x90000046  }
0x30: {  	s29 =	simm.s32 $0x9;
	_ =	strace $0x80000048  }
0x31: {  	_ =	swait.ge [sflag:s29], $0x1  }
0x32: {  	[sflag:s29] =	ssyncadd.s32 $0xFFFFFFFF  }
0x33: {  	_ =	strace $0x90000048  }
0x34: {  	_ =	sfence  }
0x35: {  	s30 =	sld [smem:$0x0];
	_ =	sdelay $0x2  }
0x36: {  	s31 =	sshll.u32 s1, $0xD;
	s1 =	sshrl.u32 s1, $0x2  }
0x37: {  	s3 =	sand.u32 $0x4000, s31;
	s1 =	sadd.s32 s1, s30  }
0x38: {  	s0 =	sor.u32 s3, s0;
	s1 =	sshll.u32 s1, $0x11  }
0x39: {  	s0 =	sor.u32 s1, s0  }
0x3a: {  	s0 =	sadd.s32 $0x8F2B, s0  }
0x3b: {  	[sflag:s0] =	ssyncadd.remote.s32 $0x1  }
0x3c: {  	_ =	sfence.sel $0xFFFF  }
0x3d: {  	[dreg:$0x0] =	wrdreg $0xFFFFFFFF;
	(pc) =	sbr.abs _section_cstart, $3  }
0x3e: {  	[dreg:$0x1] =	wrdreg $0xFFFFFFFF  }
0x3f: {  	_ =	task.clear_ibuf [dreg:s8], $0x2FFFF;
	_ =	strace $0x9FFFFFFF  }
0x40: {  	(tm) =	ssettm $0x7FFFFFFF  }
0x41: {  	_ =	shalt  }
tec
execute0_lowered:
.L_overlay_start_1:
0x0: {  	(tag) =	ssettag $0x1  }
0x1: {  	s0 =	srdreg.scid;
	s1 =	rddreg [dreg:$0x0]  }
0x2: {  	s2 =	rddreg [dreg:$0x1];
	s5 =	simm.s32 $0x1;
	s7 =	simm.s32 $0x2  }
0x3: {  	s15 =	simm.s32 $0x0;
	p0 =	por $0x0, $0x0;
	s0 =	sshll.u32 s0, $0x7  }
0x4: {  	s8 =	simm.s32 $0x800;
	s13 =	simm.s32 $0x0;
	s3 =	sand.u32 $0x80, s0  }
0x5: {  	s14 =	simm.s32 $0x0;
	s9 =	simm.s32 $0x0;
	s4 =	ssub.s32 $0x100, s3  }
.Ltmp0:
0x6: {  	s11 =	stileid.u32;
	s6 =	sshrl.u32 s4, $0x7;
	(pc) =	sbr.rel .LBB1_1-.Ltmp0, $4  }
0x7: {  	s12 =	simm.s32 $0x0;
	s4 =	sshrl.u32 s4, $0x8;
	s6 =	sand.u32 $0x1, s6  }
0x8: {  	s0 =	rddreg [dreg:$0x2];
	_ =	strace $0x80000047;
	s6 =	sadd.s32 s4, s6  }
0x9: {  	[sflag:s5] =	ssyncpa.u1 $0x0;
	s10 =	smov.u32 s3;
	s6 =	sshll.u32 s6, $0x4  }
0xa: {  	[sflag:s7] =	ssyncpa.u1 $0x0;
	s4 =	stileid.u32;
	s7 =	sor.u32 $0x1, s6  }
.LBB1_4:
0xb: {  	v5 =	vld [tilespmem:s18+$0xFFFFFFD0];
	[tilespmem:s19+$0x2040 ss:$0x81] =	vst.msk $0xffff, v1  }
0xc: {  	v58 =	vld [tilespmem:s18+$0xFFFFFFE0];
	[tilespmem:s19+$0x2850 ss:$0x81] =	vst.msk $0xffff, v2  }
0xd: {  	s20 =	sshra.s32 s20, $0x2;
	v59 =	vld [tilespmem:s18+$0xFFFFFFF0];
	[tilespmem:s19+$0x3060 ss:$0x81] =	vst.msk $0xffff, v3  }
0xe: {  	v60 =	vld [tilespmem:s18+$0x0];
	[tilespmem:s19+$0x0 ss:$0x81] =	vst.msk $0xffff, v0;
	s17 =	sadd.s32 s20, s17  }
0xf: {  	v61 =	vld [tilespmem:s18+$0x10];
	s25 =	sshll.u32 s15, $0x8;
	[tilespmem:s17+$0x3870 ss:$0x81] =	vst.msk $0xffff, v4  }
0x10: {  	s26 =	sshll.u32 s13, $0x3;
	v62 =	vld [tilespmem:s18+$0x20];
	s27 =	sshll.u32 s15, $0x7;
	s30 =	sand.u32 $0x78, s13;
	[tilespmem:s17+$0x810 ss:$0x81] =	vst.msk $0xffff, v5  }
0x11: {  	v63 =	vld [tilespmem:s18+$0xFFFFFFC0];
	s14 =	sshll.u32 s14, $0x10;
	s19 =	sand.u32 $0x7F800, s25;
	s20 =	sand.u32 $0x7FC00, s26;
	[tilespmem:s17+$0x1020 ss:$0x81] =	vst.msk $0xffff, v58  }
0x12: {  	s29 =	sand.u32 $0x300, s27;
	s15 =	sand.u32 $0x80, s27;
	s28 =	sadd.s32 s20, s19;
	[tilespmem:s17+$0x1830 ss:$0x81] =	vst.msk $0xffff, v59  }
0x13: {  	s31 =	sand.u32 $0x7, s13;
	s15 =	sor.u32 s30, s15;
	s18 =	sor.u32 s29, s28;
	[tilespmem:s17+$0x2040 ss:$0x81] =	vst.msk $0xffff, v60  }
0x14: {  	s14 =	sadd.s32 s2, s14;
	s15 =	sshrl.u32 s15, $0x3;
	s18 =	sshrl.u32 s18, $0x3;
	[tilespmem:s17+$0x2850 ss:$0x81] =	vst.msk $0xffff, v61  }
0x15: {  	s13 =	sshll.u32 s31, $0x12;
	s14 =	sadd.s32 s15, s14;
	[tilespmem:s17+$0x3060 ss:$0x81] =	vst.msk $0xffff, v62;
	s18 =	sand.u32 $0xFFE0, s18  }
0x16: {  	s13 =	sor.u32 $0x400, s13;
	[tilespmem:s17+$0x0 ss:$0x81] =	vst.msk $0xffff, v63;
	s14 =	sadd.s32 s18, s14  }
0x17: {  	[hbm4b:s14+s13] =	stream.strided.scatter [tilespmem:s16], [sflag:$0x2], $0x4000, s8, s13, $0x20;
	[tilespmem:$0x10100] =	vst v63  }
.LBB1_5:
0x18: {  	s16 =	sadd.s32 $0x80, s9  }
0x19: {  	s13 =	sadd.s32 $0x100, s10;
	s17 =	smov.u32 s10;
	p2 =	sgt.s32 s16, $0x7FF  }
0x1a: {  	s17 =	smov.u32 @p2 s13  }
0x1b: {  	s19 =	smov.u32 s11;
	s13 =	sadd.s32 $0x10, s11;
	p3 =	sgt.s32 s17, $0xFF  }
0x1c: {  	s19 =	smov.u32 @p3 s13  }
0x1d: {  	s16 =	simm.s32 @p2 $0x0;
	p2 =	sgt.s32 s19, $0xF  }
0x1e: {  	p1 =	slt.u32 s12, $0x2;
	s19 =	smov.u32 @p2 s4;
	p2 =	sne.s32 s12, s7  }
.Ltmp1:
0x1f: {  	s18 =	simm.s32 @!p1 $0x2;
	(pc) =	sbr.rel @!p2 .LBB1_6-.Ltmp1, $4  }
0x20: {  	s15 =	smov.u32 s9;
	s14 =	smov.u32 s11;
	_ =	swait.ge @!p1 [sflag:s18], $0x4000  }
0x21: {  	p0 =	por !p0, !p0;
	[sflag:s18] =	ssyncset.done @!p1 $0x0;
	s9 =	smov.u32 s16  }
0x22: {  	s17 =	smov.u32 @p3 s3;
	s13 =	smov.u32 s10;
	[sflag:s18] =	ssyncadd.s32 @!p1 $0xFFFFC000  }
0x23: {  	s10 =	smov.u32 s17;
	s12 =	sadd.s32 $0x1, s12;
	s11 =	smov.u32 s19  }
.LBB1_1:
0x24: {  	p1 =	sge.u32 s12, s6;
	s31 =	sadd.s32 $0xFFFFFFFF, s12  }
0x25: {  	s16 =	sxor.u32 @!p1 $0xFFFFFFFF, s12;
	s17 =	sand.u32 @!p1 $0x78, s9;
	s18 =	sshll.u32 @!p1 s10, $0xB  }
0x26: {  	s19 =	sshll.u32 @!p1 s10, $0x7;
	s20 =	sshll.u32 @!p1 s9, $0x3;
	s16 =	sshll.u32 @!p1 s16, $0xE  }
0x27: {  	s18 =	sand.u32 @!p1 $0x7C000, s18;
	s19 =	sand.u32 @!p1 $0x380, s19;
	s16 =	sand.u32 @!p1 $0x4000, s16  }
0x28: {  	s18 =	sadd.s32 @!p1 s18, s20;
	s20 =	sand.u32 @!p1 $0x400, s20;
	s17 =	sor.u32 @!p1 s19, s17  }
0x29: {  	s19 =	sshll.u32 @!p1 s11, $0x10;
	s17 =	sor.u32 @!p1 s20, s17;
	s18 =	sshrl.u32 @!p1 s18, $0x3  }
0x2a: {  	s19 =	sadd.s32 @!p1 s1, s19;
	s20 =	sand.u32 @!p1 $0x7, s9;
	s18 =	sand.u32 @!p1 $0xFF00, s18  }
0x2b: {  	s17 =	sshrl.u32 @!p1 s17, $0x3;
	s18 =	sadd.s32 @!p1 s18, s19;
	s19 =	sshll.u32 @!p1 s20, $0x12  }
0x2c: {  	s17 =	sadd.s32 @!p1 s17, s18;
	s18 =	sor.u32 @!p1 $0x400, s19;
	s19 =	simm.s32 @!p1 $0x4000  }
0x2d: {  	[tilespmem:s16], [sflag:$0x1] =	stream.strided.gather @!p1 [hbm4b:s17+s18], $0x4000, s19, s18, $0x38;
	[tilespmem:$0x10100] =	vst v63  }
0x2e: {  	p1 =	sge.u32 s31, s6  }
.Ltmp2:
0x2f: {  	_ = 	snop;
	(pc) =	sbr.rel @p1 .LBB1_5-.Ltmp2, $1  }
0x30: {  	_ =	sdelay $0x3  }
0x31: {  	s16 =	simm.s32 $0x1  }
0x32: {  	_ =	swait.ge [sflag:s5], $0x4000;
	s16 =	simm.s32 @!p0 $0x0  }
0x33: {  	[sflag:s5] =	ssyncset.done $0x0;
	s17 =	sshll.u32 s16, $0xE  }
0x34: {  	[sflag:s5] =	ssyncadd.s32 $0xFFFFC000;
	s18 =	sor.u32 $0x40, s17  }
0x35: {  	s16 =	smul.u32 $0x10200, s16;
	v0 =	vld [tilespmem:s18+$0x30]  }
0x36: {  	v3 =	vld [tilespmem:s18+$0xFFFFFFD0]  }
0x37: {  	s16 =	sshrl.u32 s16, $0x2;
	v4 =	vld [tilespmem:s18+$0xFFFFFFE0]  }
0x38: {  	v5 =	vld [tilespmem:s18+$0xFFFFFFF0];
	s17 =	sor.u32 $0x8000, s16  }
0x39: {  	s31 =	sand.u32 $0x1, s12;
	v1 =	vld [tilespmem:s18+$0x0];
	s19 =	sadd.s32 $0x0, s17  }
0x3a: {  	v2 =	vld [tilespmem:s18+$0x10];
	s16 =	smul.u32 $0x10200, s31;
	[tilespmem:s19+$0x3870 ss:$0x81] =	vst.msk $0xffff, v0  }
0x3b: {  	[tilespmem:s19+$0x810 ss:$0x81] =	vst.msk $0xffff, v3;
	v3 =	vld [tilespmem:s18+$0x20]  }
0x3c: {  	s16 =	sshrl.u32 s16, $0x2;
	v0 =	vld [tilespmem:s18+$0xFFFFFFC0];
	[tilespmem:s19+$0x1020 ss:$0x81] =	vst.msk $0xffff, v4;
	s18 =	sadd.s32 $0x80, s18  }
0x3d: {  	s20 =	simm.s32 $0x4;
	s21 =	simm.s32 $0x8;
	s16 =	sor.u32 $0x8000, s16;
	[tilespmem:s19+$0x1830 ss:$0x81] =	vst.msk $0xffff, v5;
	v4 =	vld [tilespmem:s18+$0x30]  }
.LBB1_3:
0x3e: {  	p1 =	sne.s32 s21, $0x1FC;
	v5 =	vld [tilespmem:s18+$0xFFFFFFD0];
	[tilespmem:s19+$0x2040 ss:$0x81] =	vst.msk $0xffff, v1  }
0x3f: {  	v6 =	vld [tilespmem:s18+$0xFFFFFFE0];
	[tilespmem:s19+$0x2850 ss:$0x81] =	vst.msk $0xffff, v2  }
0x40: {  	s22 =	sshra.s32 s20, $0x2;
	s20 =	smov.u32 s21;
	v7 =	vld [tilespmem:s18+$0xFFFFFFF0];
	[tilespmem:s19+$0x3060 ss:$0x81] =	vst.msk $0xffff, v3  }
.Ltmp3:
0x41: {  	v1 =	vld [tilespmem:s18+$0x0];
	[tilespmem:s19+$0x0 ss:$0x81] =	vst.msk $0xffff, v0;
	s19 =	sadd.s32 s22, s17;
	(pc) =	sbr.rel @p1 .LBB1_3-.Ltmp3, $4  }
0x42: {  	v2 =	vld [tilespmem:s18+$0x10];
	[tilespmem:s19+$0x3870 ss:$0x81] =	vst.msk $0xffff, v4  }
0x43: {  	[tilespmem:s19+$0x810 ss:$0x81] =	vst.msk $0xffff, v5;
	v3 =	vld [tilespmem:s18+$0x20]  }
0x44: {  	v0 =	vld [tilespmem:s18+$0xFFFFFFC0];
	[tilespmem:s19+$0x1020 ss:$0x81] =	vst.msk $0xffff, v6;
	s18 =	sadd.s32 $0x80, s18  }
0x45: {  	s21 =	sadd.s32 $0x4, s21;
	v4 =	vld [tilespmem:s18+$0x30];
	[tilespmem:s19+$0x1830 ss:$0x81] =	vst.msk $0xffff, v7  }
.Ltmp4:
0x46: {  	_ = 	snop;
	(pc) =	sbr.rel .LBB1_4-.Ltmp4, $1  }
0x47: {  	_ =	sdelay $0x3  }
.LBB1_6:
0x48: {  	_ =	sfence.sel $0x180000  }
0x49: {  	s1 =	simm.s32 $0x1;
	[bflag:$0x0] =	sbarrier.arrive $0xFFFF  }
0x4a: {  	s31 =	simm.s32 $0x2;
	[sflag:s1] =	ssyncpa.u1 $0x1  }
0x4b: {  	[sflag:s31] =	ssyncpa.u1 $0x1  }
0x4c: {  	p0 =	sne.s32 s4, $0x0;
	_ =	strace $0x90000047  }
0x4d: {  	s0 =	sadd.s32 @!p0 $0x100000, s0;
	[bflag:$0x2] =	sbarrier.arrive $0xFFFF  }
0x4e: {  	[sflag:s0] =	ssyncadd.tile.s32 @!p0 $0x1;
	_ =	shalt  }
.Lfunc_end1:
_tile_overlayer_lowered:
.L_overlay_start_2:
0x4f: {  	(tag) =	ssettag $0x2  }
0x50: {  	s0 =	rddreg [dreg:$0x0];
	s2 =	stileid.u32  }
0x51: {  	s1 =	rddreg [dreg:$0x1];
	p0 =	sne.s32 s2, $0x0  }
0x52: {  	s3 =	rddreg [dreg:$0x2];
	[bflag:$0x3] =	sbarrier.arrive $0xFFFF;
	s2 =	simm.s32 @!p0 $0x1C01  }
0x53: {  	[timem:s3], [sflag:s2] =	dma.local @!p0 [hbm:s0], s1  }
0x54: {  	s0 =	simm.s32 @!p0 $0x1  }
0x55: {  	_ =	swait.ge @!p0 [sflag:s0], s1  }
0x56: {  	s1 =	ssub.s32 @!p0 $0x0, s1;
	[sflag:s0] =	ssyncset.done @!p0 $0x0  }
0x57: {  	[sflag:s0] =	ssyncadd.s32 @!p0 s1  }
0x58: {  	[bflag:$0x3] =	sbarrier.arrive $0xFFFF  }
0x59: {  	_ =	shalt  }

// kernel: sparse-core-data-format-call.cloned.1.call-start
scs
called_computation_lowered:
.L_overlay_start_0:
0x0: {  	s2 =	sld [smem:$0x3FD9]  }
0x1: {  	s3 =	sld [smem:$0x3FFE];
	_ =	sdelay $0x1  }
0x2: {  	s1 =	srdreg.scid  }
0x3: {  	s0 =	sand.u32 $0x1, s1  }
0x4: {  	s15 =	sshll.u32 s0, $0xA;
	s2 =	sadd.s32 s3, s2  }
0x5: {  	s2 =	sadd.s32 s2, s15  }
0x6: {  	[smem:$0x3FC6] =	sst s2  }
0x7: {  	_ = 	snop  }
0x8: {  	s2 =	sld [smem:$0x3FD0];
	_ =	sdelay $0x2  }
0x9: {  	s16 =	simm.s32 $0xA;
	s4 =	simm.s32 $0x10  }
0xa: {  	[smem:s4], [sflag:s16] =	dma.local [hbm:s2], $0x1  }
0xb: {  	_ =	swait.eq [sflag:s16], $0x1  }
0xc: {  	[sflag:s16] =	ssyncset.done $0x0  }
0xd: {  	[sflag:s16] =	ssyncadd.s32 $0xFFFFFFFF  }
0xe: {  	s17 =	sld [smem:$0x10];
	(tm) =	ssettm $0x1  }
0xf: {  	s18 =	sld [smem:$0x3FFB];
	_ =	sdelay $0x3  }
0x10: {  	_ =	strace s18  }
0x11: {  	s3 =	sld [smem:$0x3FFC];
	_ =	sdelay $0x3  }
0x12: {  	_ =	strace s3  }
0x13: {  	s3 =	sld [smem:$0x3FFD];
	_ =	sdelay $0x3  }
0x14: {  	_ =	strace s3  }
0x15: {  	_ =	strace $0x8FFFFFFF  }
0x16: {  	s19 =	sld [smem:$0x3FDB];
	_ =	sdelay $0x1  }
0x17: {  	s20 =	simm.s32 $_scs_section_size  }
0x18: {  	s5 =	simm.s32 $_size__tile_overlayer_lowered;
	s6 =	simm.s32 $_tile_overlayer_lowered  }
0x19: {  	s23 =	simm.s32 $0x1BFF;
	s22 =	sshll.u32 s6, $0x1;
	s3 =	sadd.s32 s20, s19  }
0x1a: {  	s7 =	simm.s32 $0x0;
	s21 =	sshll.u32 s5, $0x1;
	s5 =	sadd.s32 s22, s3  }
0x1b: {  	[timem:s7], [sflag:s23] =	dma.local [hbm:s5], s21  }
0x1c: {  	_ =	swait.ge [sflag:s23], s21  }
0x1d: {  	s4 =	ssub.s32 $0x0, s21;
	[sflag:s23] =	ssyncset.done $0x0  }
0x1e: {  	[sflag:s23] =	ssyncadd.s32 s4;
	_ =	sdelay $0x1  }
0x1f: {  	s24 =	simm.s32 $0x1B8B  }
0x20: {  	_ =	swait.ge [sflag:s24], $0x1  }
0x21: {  	[sflag:s24] =	ssyncset.done $0x0  }
0x22: {  	s26 =	simm.s32 $0x1B8E;
	s25 =	sld [smem:$0x3FFE];
	[sflag:s24] =	ssyncadd.s32 $0xFFFFFFFF  }
0x23: {  	s27 =	simm.s32 $execute0_lowered;
	[smem:$0x3FD2] =	sst s26  }
0x24: {  	s5 =	sshll.u32 s27, $0x1;
	_ =	strace $0x80000049;
	[dreg:$0x1] =	wrdreg $0xFFFFFFFF  }
0x25: {  	s28 =	simm.s32 $_size_execute0_lowered;
	s3 =	sadd.s32 s3, s5;
	[dreg:$0x0] =	wrdreg $0x0  }
0x26: {  	s5 =	sshll.u32 s28, $0x1;
	[dreg:$0x2] =	wrdreg s3  }
0x27: {  	[dreg:$0x3] =	wrdreg s5  }
0x28: {  	[dreg:$0x4] =	wrdreg $0xC0  }
0x29: {  	_ =	task [dreg:s7], $0x5FFFF  }
0x2a: {  	[dreg:$0x1] =	wrdreg $0xFFFFFFFF  }
0x2b: {  	[dreg:$0x0] =	wrdreg $0x60  }
0x2c: {  	[dreg:$0x2] =	wrdreg s25  }
0x2d: {  	[dreg:$0x3] =	wrdreg s17  }
0x2e: {  	[dreg:$0x4] =	wrdreg $0x9  }
0x2f: {  	_ =	task.clear_ibuf [dreg:s7], $0x5FFFF;
	_ =	strace $0x90000049  }
0x30: {  	s29 =	simm.s32 $0x9;
	_ =	strace $0x8000004B  }
0x31: {  	_ =	swait.ge [sflag:s29], $0x1  }
0x32: {  	[sflag:s29] =	ssyncadd.s32 $0xFFFFFFFF  }
0x33: {  	_ =	strace $0x9000004B  }
0x34: {  	_ =	sfence  }
0x35: {  	s30 =	sld [smem:$0x0];
	_ =	sdelay $0x2  }
0x36: {  	s31 =	sshll.u32 s1, $0xD;
	s1 =	sshrl.u32 s1, $0x2  }
0x37: {  	s3 =	sand.u32 $0x4000, s31;
	s1 =	sadd.s32 s1, s30  }
0x38: {  	s0 =	sor.u32 s3, s0;
	s1 =	sshll.u32 s1, $0x11  }
0x39: {  	s0 =	sor.u32 s1, s0  }
0x3a: {  	s0 =	sadd.s32 $0x8F2B, s0  }
0x3b: {  	[sflag:s0] =	ssyncadd.remote.s32 $0x1  }
0x3c: {  	_ =	sfence.sel $0xFFFF  }
0x3d: {  	[dreg:$0x0] =	wrdreg $0xFFFFFFFF;
	(pc) =	sbr.abs _section_cstart, $3  }
0x3e: {  	[dreg:$0x1] =	wrdreg $0xFFFFFFFF  }
0x3f: {  	_ =	task.clear_ibuf [dreg:s7], $0x2FFFF;
	_ =	strace $0x9FFFFFFF  }
0x40: {  	(tm) =	ssettm $0x7FFFFFFF  }
0x41: {  	_ =	shalt  }
tec
execute0_lowered:
.L_overlay_start_1:
0x0: {  	(tag) =	ssettag $0x1  }
0x1: {  	s3 =	rddreg [dreg:$0x0]  }
0x2: {  	s0 =	srdreg.scid;
	s1 =	rddreg [dreg:$0x1]  }
0x3: {  	s5 =	simm.s32 $0x1;
	s7 =	simm.s32 $0x2;
	s15 =	simm.s32 $0x0  }
0x4: {  	p0 =	por $0x0, $0x0;
	s13 =	simm.s32 $0x0;
	s14 =	simm.s32 $0x0  }
0x5: {  	s9 =	simm.s32 $0x0;
	s11 =	stileid.u32;
	s0 =	sshll.u32 s0, $0x7  }
0x6: {  	s12 =	simm.s32 $0x0;
	s2 =	sand.u32 $0x80, s0;
	s0 =	rddreg [dreg:$0x2]  }
.Ltmp0:
0x7: {  	_ =	strace $0x8000004A;
	s6 =	ssub.s32 $0x800, s2;
	(pc) =	sbr.rel .LBB1_1-.Ltmp0, $4  }
0x8: {  	s4 =	sadd.s32 $0x81A00, s3;
	[sflag:s5] =	ssyncpa.u1 $0x0;
	s31 =	sshrl.u32 s6, $0x7  }
0x9: {  	s10 =	smov.u32 s2;
	s6 =	sshrl.u32 s6, $0x8;
	s3 =	sand.u32 $0x1, s31  }
0xa: {  	[sflag:s7] =	ssyncpa.u1 $0x0;
	s8 =	sadd.s32 s6, s3;
	s3 =	stileid.u32  }
0xb: {  	s6 =	sshll.u32 s8, $0x1;
	s7 =	sshllo.u32 s8, $0x1;
	s8 =	simm.s32 $0x4000  }
.LBB1_4:
0xc: {  	v5 =	vld [tilespmem:s18+$0xFFFFFFD0];
	[tilespmem:s19+$0x2040 ss:$0x81] =	vst.msk $0xffff, v1  }
0xd: {  	v58 =	vld [tilespmem:s18+$0xFFFFFFE0];
	[tilespmem:s19+$0x2850 ss:$0x81] =	vst.msk $0xffff, v2  }
0xe: {  	s20 =	sshra.s32 s20, $0x2;
	v59 =	vld [tilespmem:s18+$0xFFFFFFF0];
	[tilespmem:s19+$0x3060 ss:$0x81] =	vst.msk $0xffff, v3  }
0xf: {  	v60 =	vld [tilespmem:s18+$0x0];
	[tilespmem:s19+$0x0 ss:$0x81] =	vst.msk $0xffff, v0;
	s17 =	sadd.s32 s20, s17  }
0x10: {  	v61 =	vld [tilespmem:s18+$0x10];
	s26 =	sshll.u32 s15, $0xB;
	[tilespmem:s17+$0x3870 ss:$0x81] =	vst.msk $0xffff, v4  }
0x11: {  	v62 =	vld [tilespmem:s18+$0x20];
	s27 =	sand.u32 $0x78, s13;
	s21 =	sshll.u32 s13, $0x3;
	s29 =	sshll.u32 s15, $0x7;
	[tilespmem:s17+$0x810 ss:$0x81] =	vst.msk $0xffff, v5  }
0x12: {  	v63 =	vld [tilespmem:s18+$0xFFFFFFC0];
	s14 =	sshll.u32 s14, $0x10;
	s19 =	sand.u32 $0x7C000, s26;
	s28 =	sand.u32 $0x7FC00, s21;
	[tilespmem:s17+$0x1020 ss:$0x81] =	vst.msk $0xffff, v58  }
0x13: {  	s31 =	sand.u32 $0x7, s13;
	s21 =	sand.u32 $0x400, s21;
	s18 =	sadd.s32 s28, s19;
	[tilespmem:s17+$0x1830 ss:$0x81] =	vst.msk $0xffff, v59  }
0x14: {  	s15 =	sand.u32 $0x380, s29;
	s30 =	sor.u32 s27, s21;
	s18 =	sshrl.u32 s18, $0x3;
	[tilespmem:s17+$0x2040 ss:$0x81] =	vst.msk $0xffff, v60  }
0x15: {  	s14 =	sadd.s32 s1, s14;
	s15 =	sor.u32 s15, s30;
	s18 =	sand.u32 $0xFF00, s18;
	[tilespmem:s17+$0x2850 ss:$0x81] =	vst.msk $0xffff, v61  }
0x16: {  	s13 =	sshll.u32 s31, $0x12;
	s15 =	sshrl.u32 s15, $0x3;
	[tilespmem:s17+$0x3060 ss:$0x81] =	vst.msk $0xffff, v62;
	s14 =	sadd.s32 s18, s14  }
0x17: {  	s13 =	sor.u32 $0x400, s13;
	[tilespmem:s17+$0x0 ss:$0x81] =	vst.msk $0xffff, v63;
	s14 =	sadd.s32 s15, s14  }
0x18: {  	[hbm4b:s14+s13] =	stream.strided.scatter [tilespmem:s16], [sflag:$0x2], $0x4000, s8, s13, $0x20;
	[tilespmem:$0x10100] =	vst v63  }
.LBB1_5:
0x19: {  	s16 =	sadd.s32 $0x80, s9  }
0x1a: {  	s13 =	sadd.s32 $0x100, s10;
	s17 =	smov.u32 s10;
	p2 =	sgt.s32 s16, $0xFF  }
0x1b: {  	s17 =	smov.u32 @p2 s13  }
0x1c: {  	s19 =	smov.u32 s11;
	s13 =	sadd.s32 $0x10, s11;
	p3 =	sgt.s32 s17, $0x7FF  }
0x1d: {  	s19 =	smov.u32 @p3 s13  }
0x1e: {  	s16 =	simm.s32 @p2 $0x0;
	p2 =	sgt.s32 s19, $0xF  }
0x1f: {  	p1 =	slt.u32 s12, $0x2;
	s19 =	smov.u32 @p2 s3;
	p2 =	sne.s32 s12, s7  }
.Ltmp1:
0x20: {  	s18 =	simm.s32 @!p1 $0x2;
	(pc) =	sbr.rel @!p2 .LBB1_6-.Ltmp1, $4  }
0x21: {  	s15 =	smov.u32 s9;
	s14 =	smov.u32 s11;
	_ =	swait.ge @!p1 [sflag:s18], $0x4000  }
0x22: {  	p0 =	por !p0, !p0;
	[sflag:s18] =	ssyncset.done @!p1 $0x0;
	s9 =	smov.u32 s16  }
0x23: {  	s17 =	smov.u32 @p3 s2;
	s13 =	smov.u32 s10;
	[sflag:s18] =	ssyncadd.s32 @!p1 $0xFFFFC000  }
0x24: {  	s10 =	smov.u32 s17;
	s12 =	sadd.s32 $0x1, s12;
	s11 =	smov.u32 s19  }
.LBB1_1:
0x25: {  	p1 =	sge.u32 s12, s6  }
0x26: {  	s31 =	sadd.s32 $0xFFFFFFFF, s12;
	s16 =	sxor.u32 @!p1 $0xFFFFFFFF, s12  }
0x27: {  	s17 =	sshll.u32 @!p1 s10, $0x8;
	s18 =	sshll.u32 @!p1 s9, $0x3;
	s19 =	sshll.u32 @!p1 s10, $0x7  }
0x28: {  	s20 =	sand.u32 @!p1 $0x78, s9;
	s17 =	sand.u32 @!p1 $0x7F800, s17;
	s18 =	sand.u32 @!p1 $0x7FC00, s18  }
0x29: {  	s16 =	sshll.u32 @!p1 s16, $0xE;
	s17 =	sadd.s32 @!p1 s17, s18;
	s18 =	sand.u32 @!p1 $0x300, s19  }
0x2a: {  	s16 =	sand.u32 @!p1 $0x4000, s16;
	s17 =	sor.u32 @!p1 s18, s17;
	s18 =	sand.u32 @!p1 $0x80, s19  }
0x2b: {  	s19 =	sshll.u32 @!p1 s11, $0x10;
	s18 =	sor.u32 @!p1 s20, s18;
	s17 =	sshrl.u32 @!p1 s17, $0x3  }
0x2c: {  	s19 =	sadd.s32 @!p1 s4, s19;
	s20 =	sand.u32 @!p1 $0x7, s9;
	s18 =	sshrl.u32 @!p1 s18, $0x3  }
0x2d: {  	s17 =	sand.u32 @!p1 $0xFFE0, s17;
	s18 =	sadd.s32 @!p1 s18, s19;
	s19 =	sshll.u32 @!p1 s20, $0x12  }
0x2e: {  	s17 =	sadd.s32 @!p1 s17, s18;
	s18 =	sor.u32 @!p1 $0x400, s19;
	s19 =	simm.s32 @!p1 $0x800  }
0x2f: {  	[tilespmem:s16], [sflag:$0x1] =	stream.strided.gather @!p1 [hbm4b:s17+s18], $0x4000, s19, s18, $0x38;
	[tilespmem:$0x10100] =	vst v63  }
0x30: {  	p1 =	sge.u32 s31, s6  }
.Ltmp2:
0x31: {  	_ = 	snop;
	(pc) =	sbr.rel @p1 .LBB1_5-.Ltmp2, $1  }
0x32: {  	_ =	sdelay $0x3  }
0x33: {  	s16 =	simm.s32 $0x1  }
0x34: {  	_ =	swait.ge [sflag:s5], $0x4000;
	s16 =	simm.s32 @!p0 $0x0  }
0x35: {  	[sflag:s5] =	ssyncset.done $0x0;
	s17 =	sshll.u32 s16, $0xE  }
0x36: {  	[sflag:s5] =	ssyncadd.s32 $0xFFFFC000;
	s18 =	sor.u32 $0x40, s17  }
0x37: {  	s16 =	smul.u32 $0x10200, s16;
	v0 =	vld [tilespmem:s18+$0x30]  }
0x38: {  	v3 =	vld [tilespmem:s18+$0xFFFFFFD0]  }
0x39: {  	s16 =	sshrl.u32 s16, $0x2;
	v4 =	vld [tilespmem:s18+$0xFFFFFFE0]  }
0x3a: {  	v5 =	vld [tilespmem:s18+$0xFFFFFFF0];
	s17 =	sor.u32 $0x8000, s16  }
0x3b: {  	s31 =	sand.u32 $0x1, s12;
	v1 =	vld [tilespmem:s18+$0x0];
	s19 =	sadd.s32 $0x0, s17  }
0x3c: {  	v2 =	vld [tilespmem:s18+$0x10];
	s16 =	smul.u32 $0x10200, s31;
	[tilespmem:s19+$0x3870 ss:$0x81] =	vst.msk $0xffff, v0  }
0x3d: {  	[tilespmem:s19+$0x810 ss:$0x81] =	vst.msk $0xffff, v3;
	v3 =	vld [tilespmem:s18+$0x20]  }
0x3e: {  	s16 =	sshrl.u32 s16, $0x2;
	v0 =	vld [tilespmem:s18+$0xFFFFFFC0];
	[tilespmem:s19+$0x1020 ss:$0x81] =	vst.msk $0xffff, v4;
	s18 =	sadd.s32 $0x80, s18  }
0x3f: {  	s20 =	simm.s32 $0x4;
	s21 =	simm.s32 $0x8;
	s16 =	sor.u32 $0x8000, s16;
	[tilespmem:s19+$0x1830 ss:$0x81] =	vst.msk $0xffff, v5;
	v4 =	vld [tilespmem:s18+$0x30]  }
.LBB1_3:
0x40: {  	p1 =	sne.s32 s21, $0x1FC;
	v5 =	vld [tilespmem:s18+$0xFFFFFFD0];
	[tilespmem:s19+$0x2040 ss:$0x81] =	vst.msk $0xffff, v1  }
0x41: {  	v6 =	vld [tilespmem:s18+$0xFFFFFFE0];
	[tilespmem:s19+$0x2850 ss:$0x81] =	vst.msk $0xffff, v2  }
0x42: {  	s22 =	sshra.s32 s20, $0x2;
	s20 =	smov.u32 s21;
	v7 =	vld [tilespmem:s18+$0xFFFFFFF0];
	[tilespmem:s19+$0x3060 ss:$0x81] =	vst.msk $0xffff, v3  }
.Ltmp3:
0x43: {  	v1 =	vld [tilespmem:s18+$0x0];
	[tilespmem:s19+$0x0 ss:$0x81] =	vst.msk $0xffff, v0;
	s19 =	sadd.s32 s22, s17;
	(pc) =	sbr.rel @p1 .LBB1_3-.Ltmp3, $4  }
0x44: {  	v2 =	vld [tilespmem:s18+$0x10];
	[tilespmem:s19+$0x3870 ss:$0x81] =	vst.msk $0xffff, v4  }
0x45: {  	[tilespmem:s19+$0x810 ss:$0x81] =	vst.msk $0xffff, v5;
	v3 =	vld [tilespmem:s18+$0x20]  }
0x46: {  	v0 =	vld [tilespmem:s18+$0xFFFFFFC0];
	[tilespmem:s19+$0x1020 ss:$0x81] =	vst.msk $0xffff, v6;
	s18 =	sadd.s32 $0x80, s18  }
0x47: {  	s21 =	sadd.s32 $0x4, s21;
	v4 =	vld [tilespmem:s18+$0x30];
	[tilespmem:s19+$0x1830 ss:$0x81] =	vst.msk $0xffff, v7  }
.Ltmp4:
0x48: {  	_ = 	snop;
	(pc) =	sbr.rel .LBB1_4-.Ltmp4, $1  }
0x49: {  	_ =	sdelay $0x3  }
.LBB1_6:
0x4a: {  	_ =	sfence.sel $0x180000  }
0x4b: {  	s1 =	simm.s32 $0x1;
	[bflag:$0x0] =	sbarrier.arrive $0xFFFF  }
0x4c: {  	s31 =	simm.s32 $0x2;
	[sflag:s1] =	ssyncpa.u1 $0x1  }
0x4d: {  	[sflag:s31] =	ssyncpa.u1 $0x1  }
0x4e: {  	p0 =	sne.s32 s3, $0x0;
	_ =	strace $0x9000004A  }
0x4f: {  	s0 =	sadd.s32 @!p0 $0x100000, s0;
	[bflag:$0x2] =	sbarrier.arrive $0xFFFF  }
0x50: {  	[sflag:s0] =	ssyncadd.tile.s32 @!p0 $0x1;
	_ =	shalt  }
.Lfunc_end1:
_tile_overlayer_lowered:
.L_overlay_start_2:
0x51: {  	(tag) =	ssettag $0x2  }
0x52: {  	s0 =	rddreg [dreg:$0x0];
	s2 =	stileid.u32  }
0x53: {  	s1 =	rddreg [dreg:$0x1];
	p0 =	sne.s32 s2, $0x0  }
0x54: {  	s3 =	rddreg [dreg:$0x2];
	[bflag:$0x3] =	sbarrier.arrive $0xFFFF;
	s2 =	simm.s32 @!p0 $0x1C01  }
0x55: {  	[timem:s3], [sflag:s2] =	dma.local @!p0 [hbm:s0], s1  }
0x56: {  	s0 =	simm.s32 @!p0 $0x1  }
0x57: {  	_ =	swait.ge @!p0 [sflag:s0], s1  }
0x58: {  	s1 =	ssub.s32 @!p0 $0x0, s1;
	[sflag:s0] =	ssyncset.done @!p0 $0x0  }
0x59: {  	[sflag:s0] =	ssyncadd.s32 @!p0 s1  }
0x5a: {  	[bflag:$0x3] =	sbarrier.arrive $0xFFFF  }
0x5b: {  	_ =	shalt  }

</sc_bundles>
